<compile_context>
chip_gen: v7x
topology: tpu7x:2x2x1
jax: 0.10.2.dev20260603
libtpu: 0.0.44.dev20260713+nightly
codegen_flags: <defaults>
</compile_context>

<pallas_src>
import functools

import jax
import jax.numpy as jnp
from jax import lax
from jax.experimental import pallas as pl
from jax.experimental.pallas import tpu as pltpu
from jax.experimental.pallas import tpu_sc as plsc

VOCAB = 1000000
DIM = 64
BATCH = 4096
SEQ = 200

_INFO = plsc.get_sparse_core_info()
NC = _INFO.num_cores
NS = _INFO.num_subcores

D_PER_C = DIM // NC
UNITS = -(-SEQ // NS)
NSL = 3
ROUNDS = (UNITS - 1) // NSL

VMAIN = (VOCAB // 128) * 128
VTAIL = VOCAB - VMAIN
STRIP = 62464
REM = VMAIN - NS * STRIP
LINE = VMAIN + 128

_mesh = plsc.VectorSubcoreMesh(core_axis_name="c", subcore_axis_name="s")


@functools.partial(
    pl.kernel,
    mesh=_mesh,
    out_type=jax.ShapeDtypeStruct((SEQ, DIM, BATCH), jnp.float32),
    scratch_types=[
        pltpu.VMEM_SHARED((LINE,), jnp.float32),
        pltpu.VMEM((UNITS * BATCH,), jnp.int32),
        [pltpu.VMEM((BATCH,), jnp.float32) for _ in range(NSL)],
        pltpu.SemaphoreType.DMA,
        [pltpu.SemaphoreType.DMA for _ in range(NSL)],
        [pltpu.SemaphoreType.DMA for _ in range(NSL)],
    ],
    compiler_params=pltpu.CompilerParams(use_tc_tiling_on_sc=True),
)
def _gather_kernel(idx3, tab3, tail3, out_t, line, idx_all, gbuf, lsem, gsem, ssem):
    cid = lax.axis_index("c")
    sid = lax.axis_index("s")

    @pl.loop(0, UNITS)
    def _stage(k):
        s = sid + k * NS

        @pl.when(s < SEQ)
        def _():
            pltpu.sync_copy(
                idx3.at[s // 8, s % 8, :],
                idx_all.at[pl.ds(pl.multiple_of(k * BATCH, 8), BATCH)],
            )

    d0 = cid * D_PER_C

    def idx_of(k):
        return idx_all.at[pl.ds(pl.multiple_of(k * BATCH, 8), BATCH)]

    def drain_store(b):
        pltpu.make_async_copy(gbuf[b], out_t.at[0, 0, :], ssem[b]).wait()

    @pl.loop(0, D_PER_C)
    def _d_loop(i):
        d = d0 + i
        dR = d // 8
        dr = d % 8

        off = pl.multiple_of(sid * STRIP, 128)
        pltpu.async_copy(
            tab3.at[dR, dr, pl.ds(off, STRIP)], line.at[pl.ds(off, STRIP)], lsem
        )

        @pl.when(sid == 1)
        def _():
            roff = pl.multiple_of(NS * STRIP, 128)
            pltpu.async_copy(
                tab3.at[dR, dr, pl.ds(roff, REM)], line.at[pl.ds(roff, REM)], lsem
            )
            pltpu.make_async_copy(
                tab3.at[dR, dr, pl.ds(roff, REM)], line.at[pl.ds(roff, REM)], lsem
            ).wait()

        @pl.when(sid == 2)
        def _():
            pltpu.async_copy(tail3.at[dR, dr, :], line.at[pl.ds(VMAIN, 128)], lsem)
            pltpu.make_async_copy(
                tail3.at[dR, dr, :], line.at[pl.ds(VMAIN, 128)], lsem
            ).wait()

        pltpu.make_async_copy(
            tab3.at[dR, dr, pl.ds(off, STRIP)], line.at[pl.ds(off, STRIP)], lsem
        ).wait()
        plsc.subcore_barrier()
        plsc.subcore_barrier()

        def unit_start(u, b, first_use):
            s = sid + u * NS

            @pl.when(s < SEQ)
            def _():
                @pl.when(jnp.logical_not(first_use))
                def _():
                    drain_store(b)

                pltpu.async_copy(line.at[idx_of(u)], gbuf[b], gsem[b])

            return s

        def unit_finish(u, b, s):
            @pl.when(s < SEQ)
            def _():
                pltpu.make_async_copy(line.at[idx_of(u)], gbuf[b], gsem[b]).wait()
                pltpu.async_copy(gbuf[b], out_t.at[s, d, :], ssem[b])

        @pl.loop(0, ROUNDS)
        def _rounds(r):
            fresh = jnp.logical_and(i == 0, r == 0)
            ss = [unit_start(r * NSL + b, b, fresh) for b in range(NSL)]
            for b in range(NSL):
                unit_finish(r * NSL + b, b, ss[b])

        s12 = unit_start(UNITS - 1, 0, jnp.bool_(False))
        unit_finish(UNITS - 1, 0, s12)

        plsc.subcore_barrier()

    for b in range(NSL):
        drain_store(b)


def kernel(input, table):
    tab_t = table.T
    idx3 = input.T.reshape(SEQ // 8, 8, BATCH)
    tab3 = tab_t.reshape(8, DIM // 8, VOCAB)
    tail3 = jnp.pad(tab_t[:, VMAIN:], ((0, 0), (0, 128 - VTAIL))).reshape(
        8, DIM // 8, 128
    )
    out_t = _gather_kernel(idx3, tab3, tail3)
    return out_t.transpose(2, 0, 1)

# --- scband reference (transcript-rebuilt; emitter-appended) ---
"""Pipeline reference for scband-embedding-64991445123853 (READ-ONLY COPY).

The authoritative reference and input builder live on the scoring server;
editing this copy changes nothing except your own understanding.
"""

import jax, jax.numpy as jnp
import numpy as np

VOCAB = 1000000
DIM = 64
BATCH = 4096
SEQ = 200


def setup_inputs(seed: int = 0) -> dict:
    key = jax.random.key(seed)
    k1, k2 = jax.random.split(key)
    # 2D input indices [batch, sequence]
    inp = jax.random.randint(k1, (BATCH, SEQ), 0, VOCAB, dtype=jnp.int32)
    # The Damo service conceptually stores one weight row per key; we
    # materialize it as a dense embedding table [vocab, dim].
    table = jax.random.normal(k2, (VOCAB, DIM), dtype=jnp.float32) * 0.01
    return {"input": inp, "table": table}


def reference(input, table):
    # Faithful translation of Embedding.forward + EmbeddingFunction.forward:
    # the module pulls weights for the unique keys in `input` and then
    # builds the output by looking up each index's weight row, reshaping
    # to [*input.shape, dim]. Mathematically this is exactly a row gather
    # from the full table.
    emb = jnp.take(table, input, axis=0)  # [batch, seq, dim]
    return emb

if __name__ == "__main__":
    import jax
    _d = setup_inputs()
    print(jax.jit(kernel)(*tuple(_d.values())))

</pallas_src>

<mosaic_0001>
#map = affine_map<(d0, d1) -> (0, 0, 0)>
module attributes {stable_mosaic.version = 14 : i64} {
  func.func @_gather_kernel(%arg0: i32, %arg1: i32, %arg2: memref<25x8x4096xi32, #tpu.memory_space<hbm>>, %arg3: memref<8x8x1000000xf32, #tpu.memory_space<hbm>>, %arg4: memref<8x8x128xf32, #tpu.memory_space<hbm>>, %arg5: memref<200x64x4096xf32, #tpu.memory_space<hbm>>, %arg6: memref<1000064xf32, #tpu.memory_space<vmem_shared>>, %arg7: memref<53248xi32, #tpu.memory_space<vmem>>, %arg8: memref<4096xf32, #tpu.memory_space<vmem>>, %arg9: memref<4096xf32, #tpu.memory_space<vmem>>, %arg10: memref<4096xf32, #tpu.memory_space<vmem>>, %arg11: memref<!tpu.dma_semaphore, #tpu.memory_space<semaphore_mem>>, %arg12: memref<!tpu.dma_semaphore, #tpu.memory_space<semaphore_mem>>, %arg13: memref<!tpu.dma_semaphore, #tpu.memory_space<semaphore_mem>>, %arg14: memref<!tpu.dma_semaphore, #tpu.memory_space<semaphore_mem>>, %arg15: memref<!tpu.dma_semaphore, #tpu.memory_space<semaphore_mem>>, %arg16: memref<!tpu.dma_semaphore, #tpu.memory_space<semaphore_mem>>, %arg17: memref<!tpu.dma_semaphore, #tpu.memory_space<semaphore_mem>>) attributes {dimension_semantics = [#tpu.dimension_semantics<core_parallel>, #tpu.dimension_semantics<subcore_parallel>], iteration_bounds = array<i64: 2, 16>, scalar_prefetch = 0 : i64, scratch_operands = 12 : i64, tpu.core_type = #tpu.core_type<sc_vector_subcore>, window_params = [{transform_indices = #map}, {transform_indices = #map}, {transform_indices = #map}, {transform_indices = #map}]} {
    %scan3A = arith.constant 0 : i32
    %scan3A_0 = arith.constant 13 : i32
    %scan3A_1 = arith.addi %scan3A, %scan3A_0 : i32
    %scan3A_2 = arith.constant 1 : i32
    scf.for %scan3A_33 = %scan3A to %scan3A_1 step %scan3A_2  : i32 {
      %mul3A_34 = arith.constant 1 : i32
      %mul3A_35 = arith.muli %scan3A_33, %mul3A_34 : i32
      %add3A = arith.constant 0 : i32
      %add3A_36 = arith.addi %add3A, %mul3A_35 : i32
      %mul3A_37 = arith.constant 16 : i32
      %mul3A_38 = arith.muli %add3A_36, %mul3A_37 : i32
      %add3A_39 = arith.addi %arg1, %mul3A_38 : i32
      %lt3A = arith.constant 200 : i32
      %lt3A_40 = arith.cmpi slt, %add3A_39, %lt3A : i32
      %convert_element_type3A = arith.extui %lt3A_40 : i1 to i32
      %cond3A = arith.constant 0 : i32
      %cond3A_41 = arith.cmpi ne, %convert_element_type3A, %cond3A : i32
      scf.if %cond3A_41 {
        %jit3A = arith.constant 8 : i32
        %div3A = arith.divsi %add3A_39, %jit3A : i32
        %sign3A = arith.constant 0 : i32
        %sign3A_42 = arith.cmpi sgt, %add3A_39, %sign3A : i32
        %sign3A_43 = arith.extui %sign3A_42 : i1 to i32
        %sign3A_44 = arith.constant 0 : i32
        %sign3A_45 = arith.cmpi slt, %add3A_39, %sign3A_44 : i32
        %sign3A_46 = arith.extui %sign3A_45 : i1 to i32
        %sign3A_47 = arith.subi %sign3A_43, %sign3A_46 : i32
        %sign3A_48 = arith.constant 0 : i32
        %sign3A_49 = arith.cmpi sgt, %jit3A, %sign3A_48 : i32
        %sign3A_50 = arith.extui %sign3A_49 : i1 to i32
        %sign3A_51 = arith.constant 0 : i32
        %sign3A_52 = arith.cmpi slt, %jit3A, %sign3A_51 : i32
        %sign3A_53 = arith.extui %sign3A_52 : i1 to i32
        %sign3A_54 = arith.subi %sign3A_50, %sign3A_53 : i32
        %ne3A = arith.cmpi ne, %sign3A_47, %sign3A_54 : i32
        %rem3A = arith.remsi %add3A_39, %jit3A : i32
        %ne3A_55 = arith.constant 0 : i32
        %ne3A_56 = arith.cmpi ne, %rem3A, %ne3A_55 : i32
        %and3A = arith.andi %ne3A, %ne3A_56 : i1
        %sub3A = arith.constant 1 : i32
        %sub3A_57 = arith.subi %div3A, %sub3A : i32
        %select_n3A = arith.select %and3A, %sub3A_57, %div3A : i32
        %jit3A_58 = arith.constant 8 : i32
        %eq3A = arith.constant 0 : i32
        %eq3A_59 = arith.cmpi eq, %jit3A_58, %eq3A : i32
        %jit3A_60 = arith.constant 1 : i32
        %select_n3A_61 = arith.select %eq3A_59, %jit3A_60, %jit3A_58 : i32
        %rem3A_62 = arith.remsi %add3A_39, %select_n3A_61 : i32
        %ne3A_63 = arith.constant 0 : i32
        %ne3A_64 = arith.cmpi ne, %rem3A_62, %ne3A_63 : i32
        %lt3A_65 = arith.constant 0 : i32
        %lt3A_66 = arith.cmpi slt, %rem3A_62, %lt3A_65 : i32
        %lt3A_67 = arith.constant 0 : i32
        %lt3A_68 = arith.cmpi slt, %select_n3A_61, %lt3A_67 : i32
        %ne3A_69 = arith.xori %lt3A_66, %lt3A_68 : i1
        %and3A_70 = arith.andi %ne3A_69, %ne3A_64 : i1
        %add3A_71 = arith.addi %rem3A_62, %select_n3A_61 : i32
        %select_n3A_72 = arith.select %and3A_70, %add3A_71, %rem3A_62 : i32
        %mul3A_73 = arith.constant 4096 : i32
        %mul3A_74 = arith.muli %add3A_36, %mul3A_73 : i32
        %multiple_of3A = tpu.assume_multiple %mul3A_74, 8 : i32
        "tpu.region"() ({
          %run_scoped3A = tpu.sem_alloc : memref<!tpu.dma_semaphore, #tpu.memory_space<semaphore_mem>>
          %dma_start3A = tpu.memref_slice %arg7[%multiple_of3A] : memref<53248xi32, #tpu.memory_space<vmem>> -> memref<4096xi32, #tpu.memory_space<vmem>>
          %dma_start3A_75 = arith.constant 0 : i32
          %dma_start3A_76 = tpu.memref_slice %arg2[%select_n3A, %select_n3A_72, %dma_start3A_75] : memref<25x8x4096xi32, #tpu.memory_space<hbm>> -> memref<1x1x4096xi32, #tpu.memory_space<hbm>>
          %dma_start3A_77 = tpu.memref_squeeze %dma_start3A_76 : memref<1x1x4096xi32, #tpu.memory_space<hbm>> -> memref<4096xi32, #tpu.memory_space<hbm>>
          %dma_start3A_78 = tpu.memref_slice %arg7[%multiple_of3A] : memref<53248xi32, #tpu.memory_space<vmem>> -> memref<4096xi32, #tpu.memory_space<vmem>>
          %dma_start3A_79 = arith.constant 0 : i32
          %dma_start3A_80 = tpu.memref_slice %arg2[%select_n3A, %select_n3A_72, %dma_start3A_79] : memref<25x8x4096xi32, #tpu.memory_space<hbm>> -> memref<1x1x4096xi32, #tpu.memory_space<hbm>>
          %dma_start3A_81 = tpu.memref_squeeze %dma_start3A_80 : memref<1x1x4096xi32, #tpu.memory_space<hbm>> -> memref<4096xi32, #tpu.memory_space<hbm>>
          tpu.enqueue_dma source(%dma_start3A_81 : memref<4096xi32, #tpu.memory_space<hbm>>) target(%dma_start3A_78 : memref<4096xi32, #tpu.memory_space<vmem>>) target_semaphore(%run_scoped3A : memref<!tpu.dma_semaphore, #tpu.memory_space<semaphore_mem>>)
          %dma_wait3A_82 = tpu.memref_slice %arg7[%multiple_of3A] : memref<53248xi32, #tpu.memory_space<vmem>> -> memref<4096xi32, #tpu.memory_space<vmem>>
          %dma_wait3A_83 = arith.constant 0 : i32
          %dma_wait3A_84 = tpu.memref_slice %arg2[%select_n3A, %select_n3A_72, %dma_wait3A_83] : memref<25x8x4096xi32, #tpu.memory_space<hbm>> -> memref<1x1x4096xi32, #tpu.memory_space<hbm>>
          %dma_wait3A_85 = tpu.memref_squeeze %dma_wait3A_84 : memref<1x1x4096xi32, #tpu.memory_space<hbm>> -> memref<4096xi32, #tpu.memory_space<hbm>>
          %dma_wait3A_86 = tpu.memref_slice %arg7[%multiple_of3A] : memref<53248xi32, #tpu.memory_space<vmem>> -> memref<4096xi32, #tpu.memory_space<vmem>>
          %dma_wait3A_87 = arith.constant 0 : i32
          %dma_wait3A_88 = tpu.memref_slice %arg2[%select_n3A, %select_n3A_72, %dma_wait3A_87] : memref<25x8x4096xi32, #tpu.memory_space<hbm>> -> memref<1x1x4096xi32, #tpu.memory_space<hbm>>
          %dma_wait3A_89 = tpu.memref_squeeze %dma_wait3A_88 : memref<1x1x4096xi32, #tpu.memory_space<hbm>> -> memref<4096xi32, #tpu.memory_space<hbm>>
          tpu.wait_dma2 semaphore(%run_scoped3A : memref<!tpu.dma_semaphore, #tpu.memory_space<semaphore_mem>>) src(%dma_wait3A_89 : memref<4096xi32, #tpu.memory_space<hbm>>) dst(%dma_wait3A_86 : memref<4096xi32, #tpu.memory_space<vmem>>)
          tpu.yield
        }) : () -> ()
      } else {
      }
    }
    %scan3A_3 = arith.constant 13 : i32
    %mul3A = arith.constant 32 : i32
    %mul3A_4 = arith.muli %arg0, %mul3A : i32
    %scan3A_5 = arith.constant 0 : i32
    %scan3A_6 = arith.constant 32 : i32
    %scan3A_7 = arith.addi %scan3A_5, %scan3A_6 : i32
    %scan3A_8 = arith.constant 1 : i32
    scf.for %scan3A_33 = %scan3A_5 to %scan3A_7 step %scan3A_8  : i32 {
      %mul3A_34 = arith.constant 1 : i32
      %mul3A_35 = arith.muli %scan3A_33, %mul3A_34 : i32
      %add3A = arith.constant 0 : i32
      %add3A_36 = arith.addi %add3A, %mul3A_35 : i32
      %add3A_37 = arith.addi %mul3A_4, %add3A_36 : i32
      %jit3A = arith.constant 8 : i32
      %div3A = arith.divsi %add3A_37, %jit3A : i32
      %sign3A = arith.constant 0 : i32
      %sign3A_38 = arith.cmpi sgt, %add3A_37, %sign3A : i32
      %sign3A_39 = arith.extui %sign3A_38 : i1 to i32
      %sign3A_40 = arith.constant 0 : i32
      %sign3A_41 = arith.cmpi slt, %add3A_37, %sign3A_40 : i32
      %sign3A_42 = arith.extui %sign3A_41 : i1 to i32
      %sign3A_43 = arith.subi %sign3A_39, %sign3A_42 : i32
      %sign3A_44 = arith.constant 0 : i32
      %sign3A_45 = arith.cmpi sgt, %jit3A, %sign3A_44 : i32
      %sign3A_46 = arith.extui %sign3A_45 : i1 to i32
      %sign3A_47 = arith.constant 0 : i32
      %sign3A_48 = arith.cmpi slt, %jit3A, %sign3A_47 : i32
      %sign3A_49 = arith.extui %sign3A_48 : i1 to i32
      %sign3A_50 = arith.subi %sign3A_46, %sign3A_49 : i32
      %ne3A = arith.cmpi ne, %sign3A_43, %sign3A_50 : i32
      %rem3A = arith.remsi %add3A_37, %jit3A : i32
      %ne3A_51 = arith.constant 0 : i32
      %ne3A_52 = arith.cmpi ne, %rem3A, %ne3A_51 : i32
      %and3A = arith.andi %ne3A, %ne3A_52 : i1
      %sub3A = arith.constant 1 : i32
      %sub3A_53 = arith.subi %div3A, %sub3A : i32
      %select_n3A = arith.select %and3A, %sub3A_53, %div3A : i32
      %jit3A_54 = arith.constant 8 : i32
      %eq3A = arith.constant 0 : i32
      %eq3A_55 = arith.cmpi eq, %jit3A_54, %eq3A : i32
      %jit3A_56 = arith.constant 1 : i32
      %select_n3A_57 = arith.select %eq3A_55, %jit3A_56, %jit3A_54 : i32
      %rem3A_58 = arith.remsi %add3A_37, %select_n3A_57 : i32
      %ne3A_59 = arith.constant 0 : i32
      %ne3A_60 = arith.cmpi ne, %rem3A_58, %ne3A_59 : i32
      %lt3A = arith.constant 0 : i32
      %lt3A_61 = arith.cmpi slt, %rem3A_58, %lt3A : i32
      %lt3A_62 = arith.constant 0 : i32
      %lt3A_63 = arith.cmpi slt, %select_n3A_57, %lt3A_62 : i32
      %ne3A_64 = arith.xori %lt3A_61, %lt3A_63 : i1
      %and3A_65 = arith.andi %ne3A_64, %ne3A_60 : i1
      %add3A_66 = arith.addi %rem3A_58, %select_n3A_57 : i32
      %select_n3A_67 = arith.select %and3A_65, %add3A_66, %rem3A_58 : i32
      %mul3A_68 = arith.constant 62464 : i32
      %mul3A_69 = arith.muli %arg1, %mul3A_68 : i32
      %multiple_of3A = tpu.assume_multiple %mul3A_69, 128 : i32
      %dma_start3A = tpu.memref_slice %arg6[%multiple_of3A] : memref<1000064xf32, #tpu.memory_space<vmem_shared>> -> memref<62464xf32, #tpu.memory_space<vmem_shared>>
      %dma_start3A_70 = tpu.memref_slice %arg3[%select_n3A, %select_n3A_67, %multiple_of3A] : memref<8x8x1000000xf32, #tpu.memory_space<hbm>> -> memref<1x1x62464xf32, #tpu.memory_space<hbm>>
      %dma_start3A_71 = tpu.memref_squeeze %dma_start3A_70 : memref<1x1x62464xf32, #tpu.memory_space<hbm>> -> memref<62464xf32, #tpu.memory_space<hbm>>
      tpu.enqueue_dma source(%dma_start3A_71 : memref<62464xf32, #tpu.memory_space<hbm>>) target(%dma_start3A : memref<62464xf32, #tpu.memory_space<vmem_shared>>) target_semaphore(%arg11 : memref<!tpu.dma_semaphore, #tpu.memory_space<semaphore_mem>>)
      %eq3A_72 = arith.constant 1 : i32
      %eq3A_73 = arith.cmpi eq, %arg1, %eq3A_72 : i32
      %convert_element_type3A = arith.extui %eq3A_73 : i1 to i32
      %cond3A = arith.constant 0 : i32
      %cond3A_74 = arith.cmpi ne, %convert_element_type3A, %cond3A : i32
      scf.if %cond3A_74 {
        %multiple_of3A_103 = arith.constant 999424 : i32
        %multiple_of3A_104 = tpu.assume_multiple %multiple_of3A_103, 128 : i32
        %dma_start3A_105 = tpu.memref_slice %arg6[%multiple_of3A_104] : memref<1000064xf32, #tpu.memory_space<vmem_shared>> -> memref<512xf32, #tpu.memory_space<vmem_shared>>
        %dma_start3A_106 = tpu.memref_slice %arg3[%select_n3A, %select_n3A_67, %multiple_of3A_104] : memref<8x8x1000000xf32, #tpu.memory_space<hbm>> -> memref<1x1x512xf32, #tpu.memory_space<hbm>>
        %dma_start3A_107 = tpu.memref_squeeze %dma_start3A_106 : memref<1x1x512xf32, #tpu.memory_space<hbm>> -> memref<512xf32, #tpu.memory_space<hbm>>
        tpu.enqueue_dma source(%dma_start3A_107 : memref<512xf32, #tpu.memory_space<hbm>>) target(%dma_start3A_105 : memref<512xf32, #tpu.memory_space<vmem_shared>>) target_semaphore(%arg11 : memref<!tpu.dma_semaphore, #tpu.memory_space<semaphore_mem>>)
        %dma_wait3A_108 = tpu.memref_slice %arg6[%multiple_of3A_104] : memref<1000064xf32, #tpu.memory_space<vmem_shared>> -> memref<512xf32, #tpu.memory_space<vmem_shared>>
        %dma_wait3A_109 = tpu.memref_slice %arg3[%select_n3A, %select_n3A_67, %multiple_of3A_104] : memref<8x8x1000000xf32, #tpu.memory_space<hbm>> -> memref<1x1x512xf32, #tpu.memory_space<hbm>>
        %dma_wait3A_110 = tpu.memref_squeeze %dma_wait3A_109 : memref<1x1x512xf32, #tpu.memory_space<hbm>> -> memref<512xf32, #tpu.memory_space<hbm>>
        tpu.wait_dma2 semaphore(%arg11 : memref<!tpu.dma_semaphore, #tpu.memory_space<semaphore_mem>>) src(%dma_wait3A_110 : memref<512xf32, #tpu.memory_space<hbm>>) dst(%dma_wait3A_108 : memref<512xf32, #tpu.memory_space<vmem_shared>>)
      } else {
      }
      %eq3A_75 = arith.constant 2 : i32
      %eq3A_76 = arith.cmpi eq, %arg1, %eq3A_75 : i32
      %convert_element_type3A_77 = arith.extui %eq3A_76 : i1 to i32
      %cond3A_78 = arith.constant 0 : i32
      %cond3A_79 = arith.cmpi ne, %convert_element_type3A_77, %cond3A_78 : i32
      scf.if %cond3A_79 {
        %dma_start3A_103 = arith.constant 999936 : i32
        %dma_start3A_104 = tpu.memref_slice %arg6[%dma_start3A_103] : memref<1000064xf32, #tpu.memory_space<vmem_shared>> -> memref<128xf32, #tpu.memory_space<vmem_shared>>
        %dma_start3A_105 = arith.constant 0 : i32
        %dma_start3A_106 = tpu.memref_slice %arg4[%select_n3A, %select_n3A_67, %dma_start3A_105] : memref<8x8x128xf32, #tpu.memory_space<hbm>> -> memref<1x1x128xf32, #tpu.memory_space<hbm>>
        %dma_start3A_107 = tpu.memref_squeeze %dma_start3A_106 : memref<1x1x128xf32, #tpu.memory_space<hbm>> -> memref<128xf32, #tpu.memory_space<hbm>>
        tpu.enqueue_dma source(%dma_start3A_107 : memref<128xf32, #tpu.memory_space<hbm>>) target(%dma_start3A_104 : memref<128xf32, #tpu.memory_space<vmem_shared>>) target_semaphore(%arg11 : memref<!tpu.dma_semaphore, #tpu.memory_space<semaphore_mem>>)
        %dma_wait3A_108 = arith.constant 999936 : i32
        %dma_wait3A_109 = tpu.memref_slice %arg6[%dma_wait3A_108] : memref<1000064xf32, #tpu.memory_space<vmem_shared>> -> memref<128xf32, #tpu.memory_space<vmem_shared>>
        %dma_wait3A_110 = arith.constant 0 : i32
        %dma_wait3A_111 = tpu.memref_slice %arg4[%select_n3A, %select_n3A_67, %dma_wait3A_110] : memref<8x8x128xf32, #tpu.memory_space<hbm>> -> memref<1x1x128xf32, #tpu.memory_space<hbm>>
        %dma_wait3A_112 = tpu.memref_squeeze %dma_wait3A_111 : memref<1x1x128xf32, #tpu.memory_space<hbm>> -> memref<128xf32, #tpu.memory_space<hbm>>
        tpu.wait_dma2 semaphore(%arg11 : memref<!tpu.dma_semaphore, #tpu.memory_space<semaphore_mem>>) src(%dma_wait3A_112 : memref<128xf32, #tpu.memory_space<hbm>>) dst(%dma_wait3A_109 : memref<128xf32, #tpu.memory_space<vmem_shared>>)
      } else {
      }
      %dma_wait3A_80 = tpu.memref_slice %arg6[%multiple_of3A] : memref<1000064xf32, #tpu.memory_space<vmem_shared>> -> memref<62464xf32, #tpu.memory_space<vmem_shared>>
      %dma_wait3A_81 = tpu.memref_slice %arg3[%select_n3A, %select_n3A_67, %multiple_of3A] : memref<8x8x1000000xf32, #tpu.memory_space<hbm>> -> memref<1x1x62464xf32, #tpu.memory_space<hbm>>
      %dma_wait3A_82 = tpu.memref_squeeze %dma_wait3A_81 : memref<1x1x62464xf32, #tpu.memory_space<hbm>> -> memref<62464xf32, #tpu.memory_space<hbm>>
      tpu.wait_dma2 semaphore(%arg11 : memref<!tpu.dma_semaphore, #tpu.memory_space<semaphore_mem>>) src(%dma_wait3A_82 : memref<62464xf32, #tpu.memory_space<hbm>>) dst(%dma_wait3A_80 : memref<62464xf32, #tpu.memory_space<vmem_shared>>)
      %barrier3A = arith.constant 0 : index
      tpu.barrier barrier_id(%barrier3A)
      %barrier3A_83 = arith.constant 0 : index
      tpu.barrier barrier_id(%barrier3A_83)
      %scan3A_84 = arith.constant 0 : i32
      %scan3A_85 = arith.constant 4 : i32
      %scan3A_86 = arith.addi %scan3A_84, %scan3A_85 : i32
      %scan3A_87 = arith.constant 1 : i32
      scf.for %scan3A_103 = %scan3A_84 to %scan3A_86 step %scan3A_87  : i32 {
        %mul3A_104 = arith.constant 1 : i32
        %mul3A_105 = arith.muli %scan3A_103, %mul3A_104 : i32
        %add3A_106 = arith.constant 0 : i32
        %add3A_107 = arith.addi %add3A_106, %mul3A_105 : i32
        %eq3A_108 = arith.constant 0 : i32
        %eq3A_109 = arith.cmpi eq, %add3A_36, %eq3A_108 : i32
        %eq3A_110 = arith.constant 0 : i32
        %eq3A_111 = arith.cmpi eq, %add3A_107, %eq3A_110 : i32
        %and3A_112 = arith.andi %eq3A_109, %eq3A_111 : i1
        %mul3A_113 = arith.constant 3 : i32
        %mul3A_114 = arith.muli %add3A_107, %mul3A_113 : i32
        %add3A_115 = arith.constant 0 : i32
        %add3A_116 = arith.addi %mul3A_114, %add3A_115 : i32
        %mul3A_117 = arith.constant 16 : i32
        %mul3A_118 = arith.muli %add3A_116, %mul3A_117 : i32
        %add3A_119 = arith.addi %arg1, %mul3A_118 : i32
        %lt3A_120 = arith.constant 200 : i32
        %lt3A_121 = arith.cmpi slt, %add3A_119, %lt3A_120 : i32
        %convert_element_type3A_122 = arith.extui %lt3A_121 : i1 to i32
        %cond3A_123 = arith.constant 0 : i32
        %cond3A_124 = arith.cmpi ne, %convert_element_type3A_122, %cond3A_123 : i32
        scf.if %cond3A_124 {
          %not3A = arith.constant true
          %not3A_176 = arith.xori %and3A_112, %not3A : i1
          %convert_element_type3A_177 = arith.extui %not3A_176 : i1 to i32
          %cond3A_178 = arith.constant 0 : i32
          %cond3A_179 = arith.cmpi ne, %convert_element_type3A_177, %cond3A_178 : i32
          scf.if %cond3A_179 {
            %dma_wait3A_186 = arith.constant 0 : i32
            %dma_wait3A_187 = arith.constant 0 : i32
            %dma_wait3A_188 = arith.constant 0 : i32
            %dma_wait3A_189 = tpu.memref_slice %arg5[%dma_wait3A_186, %dma_wait3A_187, %dma_wait3A_188] : memref<200x64x4096xf32, #tpu.memory_space<hbm>> -> memref<1x1x4096xf32, #tpu.memory_space<hbm>>
            %dma_wait3A_190 = tpu.memref_squeeze %dma_wait3A_189 : memref<1x1x4096xf32, #tpu.memory_space<hbm>> -> memref<4096xf32, #tpu.memory_space<hbm>>
            %dma_wait3A_191 = arith.constant 0 : i32
            %dma_wait3A_192 = tpu.memref_slice %arg5[%dma_wait3A_186, %dma_wait3A_187, %dma_wait3A_191] : memref<200x64x4096xf32, #tpu.memory_space<hbm>> -> memref<1x1x4096xf32, #tpu.memory_space<hbm>>
            %dma_wait3A_193 = tpu.memref_squeeze %dma_wait3A_192 : memref<1x1x4096xf32, #tpu.memory_space<hbm>> -> memref<4096xf32, #tpu.memory_space<hbm>>
            tpu.wait_dma2 semaphore(%arg15 : memref<!tpu.dma_semaphore, #tpu.memory_space<semaphore_mem>>) src(%arg8 : memref<4096xf32, #tpu.memory_space<vmem>>) dst(%dma_wait3A_193 : memref<4096xf32, #tpu.memory_space<hbm>>)
          } else {
          }
          %mul3A_180 = arith.constant 4096 : i32
          %mul3A_181 = arith.muli %add3A_116, %mul3A_180 : i32
          %multiple_of3A_182 = tpu.assume_multiple %mul3A_181, 8 : i32
          %dma_start3A_183 = tpu.memref_slice %arg7[%multiple_of3A_182] : memref<53248xi32, #tpu.memory_space<vmem>> -> memref<4096xi32, #tpu.memory_space<vmem>>
          %dma_start3A_184 = arith.constant 0 : i32
          %dma_start3A_185 = tpu.memref_slice %arg6[%dma_start3A_184] : memref<1000064xf32, #tpu.memory_space<vmem_shared>> -> memref<1000064xf32, #tpu.memory_space<vmem_shared>>
          tpu.enqueue_indirect_dma source(%dma_start3A_185 : memref<1000064xf32, #tpu.memory_space<vmem_shared>>) target(%arg8 : memref<4096xf32, #tpu.memory_space<vmem>>) offsets(%dma_start3A_183 : memref<4096xi32, #tpu.memory_space<vmem>>) semaphore(%arg12 : memref<!tpu.dma_semaphore, #tpu.memory_space<semaphore_mem>>)
        } else {
        }
        %mul3A_125 = arith.constant 3 : i32
        %mul3A_126 = arith.muli %add3A_107, %mul3A_125 : i32
        %add3A_127 = arith.constant 1 : i32
        %add3A_128 = arith.addi %mul3A_126, %add3A_127 : i32
        %mul3A_129 = arith.constant 16 : i32
        %mul3A_130 = arith.muli %add3A_128, %mul3A_129 : i32
        %add3A_131 = arith.addi %arg1, %mul3A_130 : i32
        %lt3A_132 = arith.constant 200 : i32
        %lt3A_133 = arith.cmpi slt, %add3A_131, %lt3A_132 : i32
        %convert_element_type3A_134 = arith.extui %lt3A_133 : i1 to i32
        %cond3A_135 = arith.constant 0 : i32
        %cond3A_136 = arith.cmpi ne, %convert_element_type3A_134, %cond3A_135 : i32
        scf.if %cond3A_136 {
          %not3A = arith.constant true
          %not3A_176 = arith.xori %and3A_112, %not3A : i1
          %convert_element_type3A_177 = arith.extui %not3A_176 : i1 to i32
          %cond3A_178 = arith.constant 0 : i32
          %cond3A_179 = arith.cmpi ne, %convert_element_type3A_177, %cond3A_178 : i32
          scf.if %cond3A_179 {
            %dma_wait3A_186 = arith.constant 0 : i32
            %dma_wait3A_187 = arith.constant 0 : i32
            %dma_wait3A_188 = arith.constant 0 : i32
            %dma_wait3A_189 = tpu.memref_slice %arg5[%dma_wait3A_186, %dma_wait3A_187, %dma_wait3A_188] : memref<200x64x4096xf32, #tpu.memory_space<hbm>> -> memref<1x1x4096xf32, #tpu.memory_space<hbm>>
            %dma_wait3A_190 = tpu.memref_squeeze %dma_wait3A_189 : memref<1x1x4096xf32, #tpu.memory_space<hbm>> -> memref<4096xf32, #tpu.memory_space<hbm>>
            %dma_wait3A_191 = arith.constant 0 : i32
            %dma_wait3A_192 = tpu.memref_slice %arg5[%dma_wait3A_186, %dma_wait3A_187, %dma_wait3A_191] : memref<200x64x4096xf32, #tpu.memory_space<hbm>> -> memref<1x1x4096xf32, #tpu.memory_space<hbm>>
            %dma_wait3A_193 = tpu.memref_squeeze %dma_wait3A_192 : memref<1x1x4096xf32, #tpu.memory_space<hbm>> -> memref<4096xf32, #tpu.memory_space<hbm>>
            tpu.wait_dma2 semaphore(%arg16 : memref<!tpu.dma_semaphore, #tpu.memory_space<semaphore_mem>>) src(%arg9 : memref<4096xf32, #tpu.memory_space<vmem>>) dst(%dma_wait3A_193 : memref<4096xf32, #tpu.memory_space<hbm>>)
          } else {
          }
          %mul3A_180 = arith.constant 4096 : i32
          %mul3A_181 = arith.muli %add3A_128, %mul3A_180 : i32
          %multiple_of3A_182 = tpu.assume_multiple %mul3A_181, 8 : i32
          %dma_start3A_183 = tpu.memref_slice %arg7[%multiple_of3A_182] : memref<53248xi32, #tpu.memory_space<vmem>> -> memref<4096xi32, #tpu.memory_space<vmem>>
          %dma_start3A_184 = arith.constant 0 : i32
          %dma_start3A_185 = tpu.memref_slice %arg6[%dma_start3A_184] : memref<1000064xf32, #tpu.memory_space<vmem_shared>> -> memref<1000064xf32, #tpu.memory_space<vmem_shared>>
          tpu.enqueue_indirect_dma source(%dma_start3A_185 : memref<1000064xf32, #tpu.memory_space<vmem_shared>>) target(%arg9 : memref<4096xf32, #tpu.memory_space<vmem>>) offsets(%dma_start3A_183 : memref<4096xi32, #tpu.memory_space<vmem>>) semaphore(%arg13 : memref<!tpu.dma_semaphore, #tpu.memory_space<semaphore_mem>>)
        } else {
        }
        %mul3A_137 = arith.constant 3 : i32
        %mul3A_138 = arith.muli %add3A_107, %mul3A_137 : i32
        %add3A_139 = arith.constant 2 : i32
        %add3A_140 = arith.addi %mul3A_138, %add3A_139 : i32
        %mul3A_141 = arith.constant 16 : i32
        %mul3A_142 = arith.muli %add3A_140, %mul3A_141 : i32
        %add3A_143 = arith.addi %arg1, %mul3A_142 : i32
        %lt3A_144 = arith.constant 200 : i32
        %lt3A_145 = arith.cmpi slt, %add3A_143, %lt3A_144 : i32
        %convert_element_type3A_146 = arith.extui %lt3A_145 : i1 to i32
        %cond3A_147 = arith.constant 0 : i32
        %cond3A_148 = arith.cmpi ne, %convert_element_type3A_146, %cond3A_147 : i32
        scf.if %cond3A_148 {
          %not3A = arith.constant true
          %not3A_176 = arith.xori %and3A_112, %not3A : i1
          %convert_element_type3A_177 = arith.extui %not3A_176 : i1 to i32
          %cond3A_178 = arith.constant 0 : i32
          %cond3A_179 = arith.cmpi ne, %convert_element_type3A_177, %cond3A_178 : i32
          scf.if %cond3A_179 {
            %dma_wait3A_186 = arith.constant 0 : i32
            %dma_wait3A_187 = arith.constant 0 : i32
            %dma_wait3A_188 = arith.constant 0 : i32
            %dma_wait3A_189 = tpu.memref_slice %arg5[%dma_wait3A_186, %dma_wait3A_187, %dma_wait3A_188] : memref<200x64x4096xf32, #tpu.memory_space<hbm>> -> memref<1x1x4096xf32, #tpu.memory_space<hbm>>
            %dma_wait3A_190 = tpu.memref_squeeze %dma_wait3A_189 : memref<1x1x4096xf32, #tpu.memory_space<hbm>> -> memref<4096xf32, #tpu.memory_space<hbm>>
            %dma_wait3A_191 = arith.constant 0 : i32
            %dma_wait3A_192 = tpu.memref_slice %arg5[%dma_wait3A_186, %dma_wait3A_187, %dma_wait3A_191] : memref<200x64x4096xf32, #tpu.memory_space<hbm>> -> memref<1x1x4096xf32, #tpu.memory_space<hbm>>
            %dma_wait3A_193 = tpu.memref_squeeze %dma_wait3A_192 : memref<1x1x4096xf32, #tpu.memory_space<hbm>> -> memref<4096xf32, #tpu.memory_space<hbm>>
            tpu.wait_dma2 semaphore(%arg17 : memref<!tpu.dma_semaphore, #tpu.memory_space<semaphore_mem>>) src(%arg10 : memref<4096xf32, #tpu.memory_space<vmem>>) dst(%dma_wait3A_193 : memref<4096xf32, #tpu.memory_space<hbm>>)
          } else {
          }
          %mul3A_180 = arith.constant 4096 : i32
          %mul3A_181 = arith.muli %add3A_140, %mul3A_180 : i32
          %multiple_of3A_182 = tpu.assume_multiple %mul3A_181, 8 : i32
          %dma_start3A_183 = tpu.memref_slice %arg7[%multiple_of3A_182] : memref<53248xi32, #tpu.memory_space<vmem>> -> memref<4096xi32, #tpu.memory_space<vmem>>
          %dma_start3A_184 = arith.constant 0 : i32
          %dma_start3A_185 = tpu.memref_slice %arg6[%dma_start3A_184] : memref<1000064xf32, #tpu.memory_space<vmem_shared>> -> memref<1000064xf32, #tpu.memory_space<vmem_shared>>
          tpu.enqueue_indirect_dma source(%dma_start3A_185 : memref<1000064xf32, #tpu.memory_space<vmem_shared>>) target(%arg10 : memref<4096xf32, #tpu.memory_space<vmem>>) offsets(%dma_start3A_183 : memref<4096xi32, #tpu.memory_space<vmem>>) semaphore(%arg14 : memref<!tpu.dma_semaphore, #tpu.memory_space<semaphore_mem>>)
        } else {
        }
        %mul3A_149 = arith.constant 3 : i32
        %mul3A_150 = arith.muli %add3A_107, %mul3A_149 : i32
        %add3A_151 = arith.constant 0 : i32
        %add3A_152 = arith.addi %mul3A_150, %add3A_151 : i32
        %lt3A_153 = arith.constant 200 : i32
        %lt3A_154 = arith.cmpi slt, %add3A_119, %lt3A_153 : i32
        %convert_element_type3A_155 = arith.extui %lt3A_154 : i1 to i32
        %cond3A_156 = arith.constant 0 : i32
        %cond3A_157 = arith.cmpi ne, %convert_element_type3A_155, %cond3A_156 : i32
        scf.if %cond3A_157 {
          %mul3A_176 = arith.constant 4096 : i32
          %mul3A_177 = arith.muli %add3A_152, %mul3A_176 : i32
          %multiple_of3A_178 = tpu.assume_multiple %mul3A_177, 8 : i32
          %dma_wait3A_179 = tpu.memref_slice %arg7[%multiple_of3A_178] : memref<53248xi32, #tpu.memory_space<vmem>> -> memref<4096xi32, #tpu.memory_space<vmem>>
          %dma_wait3A_180 = arith.constant 0 : i32
          %dma_wait3A_181 = tpu.memref_slice %arg6[%dma_wait3A_180] : memref<1000064xf32, #tpu.memory_space<vmem_shared>> -> memref<1000064xf32, #tpu.memory_space<vmem_shared>>
          tpu.wait_indirect_dma semaphore(%arg12 : memref<!tpu.dma_semaphore, #tpu.memory_space<semaphore_mem>>) src(%dma_wait3A_181 : memref<1000064xf32, #tpu.memory_space<vmem_shared>>) dst(%arg8 : memref<4096xf32, #tpu.memory_space<vmem>>)
          %dma_start3A_182 = arith.constant 0 : i32
          %dma_start3A_183 = tpu.memref_slice %arg5[%add3A_119, %add3A_37, %dma_start3A_182] : memref<200x64x4096xf32, #tpu.memory_space<hbm>> -> memref<1x1x4096xf32, #tpu.memory_space<hbm>>
          %dma_start3A_184 = tpu.memref_squeeze %dma_start3A_183 : memref<1x1x4096xf32, #tpu.memory_space<hbm>> -> memref<4096xf32, #tpu.memory_space<hbm>>
          %dma_start3A_185 = arith.constant 0 : i32
          %dma_start3A_186 = tpu.memref_slice %arg5[%add3A_119, %add3A_37, %dma_start3A_185] : memref<200x64x4096xf32, #tpu.memory_space<hbm>> -> memref<1x1x4096xf32, #tpu.memory_space<hbm>>
          %dma_start3A_187 = tpu.memref_squeeze %dma_start3A_186 : memref<1x1x4096xf32, #tpu.memory_space<hbm>> -> memref<4096xf32, #tpu.memory_space<hbm>>
          tpu.enqueue_dma source(%arg8 : memref<4096xf32, #tpu.memory_space<vmem>>) target(%dma_start3A_187 : memref<4096xf32, #tpu.memory_space<hbm>>) target_semaphore(%arg15 : memref<!tpu.dma_semaphore, #tpu.memory_space<semaphore_mem>>)
        } else {
        }
        %mul3A_158 = arith.constant 3 : i32
        %mul3A_159 = arith.muli %add3A_107, %mul3A_158 : i32
        %add3A_160 = arith.constant 1 : i32
        %add3A_161 = arith.addi %mul3A_159, %add3A_160 : i32
        %lt3A_162 = arith.constant 200 : i32
        %lt3A_163 = arith.cmpi slt, %add3A_131, %lt3A_162 : i32
        %convert_element_type3A_164 = arith.extui %lt3A_163 : i1 to i32
        %cond3A_165 = arith.constant 0 : i32
        %cond3A_166 = arith.cmpi ne, %convert_element_type3A_164, %cond3A_165 : i32
        scf.if %cond3A_166 {
          %mul3A_176 = arith.constant 4096 : i32
          %mul3A_177 = arith.muli %add3A_161, %mul3A_176 : i32
          %multiple_of3A_178 = tpu.assume_multiple %mul3A_177, 8 : i32
          %dma_wait3A_179 = tpu.memref_slice %arg7[%multiple_of3A_178] : memref<53248xi32, #tpu.memory_space<vmem>> -> memref<4096xi32, #tpu.memory_space<vmem>>
          %dma_wait3A_180 = arith.constant 0 : i32
          %dma_wait3A_181 = tpu.memref_slice %arg6[%dma_wait3A_180] : memref<1000064xf32, #tpu.memory_space<vmem_shared>> -> memref<1000064xf32, #tpu.memory_space<vmem_shared>>
          tpu.wait_indirect_dma semaphore(%arg13 : memref<!tpu.dma_semaphore, #tpu.memory_space<semaphore_mem>>) src(%dma_wait3A_181 : memref<1000064xf32, #tpu.memory_space<vmem_shared>>) dst(%arg9 : memref<4096xf32, #tpu.memory_space<vmem>>)
          %dma_start3A_182 = arith.constant 0 : i32
          %dma_start3A_183 = tpu.memref_slice %arg5[%add3A_131, %add3A_37, %dma_start3A_182] : memref<200x64x4096xf32, #tpu.memory_space<hbm>> -> memref<1x1x4096xf32, #tpu.memory_space<hbm>>
          %dma_start3A_184 = tpu.memref_squeeze %dma_start3A_183 : memref<1x1x4096xf32, #tpu.memory_space<hbm>> -> memref<4096xf32, #tpu.memory_space<hbm>>
          %dma_start3A_185 = arith.constant 0 : i32
          %dma_start3A_186 = tpu.memref_slice %arg5[%add3A_131, %add3A_37, %dma_start3A_185] : memref<200x64x4096xf32, #tpu.memory_space<hbm>> -> memref<1x1x4096xf32, #tpu.memory_space<hbm>>
          %dma_start3A_187 = tpu.memref_squeeze %dma_start3A_186 : memref<1x1x4096xf32, #tpu.memory_space<hbm>> -> memref<4096xf32, #tpu.memory_space<hbm>>
          tpu.enqueue_dma source(%arg9 : memref<4096xf32, #tpu.memory_space<vmem>>) target(%dma_start3A_187 : memref<4096xf32, #tpu.memory_space<hbm>>) target_semaphore(%arg16 : memref<!tpu.dma_semaphore, #tpu.memory_space<semaphore_mem>>)
        } else {
        }
        %mul3A_167 = arith.constant 3 : i32
        %mul3A_168 = arith.muli %add3A_107, %mul3A_167 : i32
        %add3A_169 = arith.constant 2 : i32
        %add3A_170 = arith.addi %mul3A_168, %add3A_169 : i32
        %lt3A_171 = arith.constant 200 : i32
        %lt3A_172 = arith.cmpi slt, %add3A_143, %lt3A_171 : i32
        %convert_element_type3A_173 = arith.extui %lt3A_172 : i1 to i32
        %cond3A_174 = arith.constant 0 : i32
        %cond3A_175 = arith.cmpi ne, %convert_element_type3A_173, %cond3A_174 : i32
        scf.if %cond3A_175 {
          %mul3A_176 = arith.constant 4096 : i32
          %mul3A_177 = arith.muli %add3A_170, %mul3A_176 : i32
          %multiple_of3A_178 = tpu.assume_multiple %mul3A_177, 8 : i32
          %dma_wait3A_179 = tpu.memref_slice %arg7[%multiple_of3A_178] : memref<53248xi32, #tpu.memory_space<vmem>> -> memref<4096xi32, #tpu.memory_space<vmem>>
          %dma_wait3A_180 = arith.constant 0 : i32
          %dma_wait3A_181 = tpu.memref_slice %arg6[%dma_wait3A_180] : memref<1000064xf32, #tpu.memory_space<vmem_shared>> -> memref<1000064xf32, #tpu.memory_space<vmem_shared>>
          tpu.wait_indirect_dma semaphore(%arg14 : memref<!tpu.dma_semaphore, #tpu.memory_space<semaphore_mem>>) src(%dma_wait3A_181 : memref<1000064xf32, #tpu.memory_space<vmem_shared>>) dst(%arg10 : memref<4096xf32, #tpu.memory_space<vmem>>)
          %dma_start3A_182 = arith.constant 0 : i32
          %dma_start3A_183 = tpu.memref_slice %arg5[%add3A_143, %add3A_37, %dma_start3A_182] : memref<200x64x4096xf32, #tpu.memory_space<hbm>> -> memref<1x1x4096xf32, #tpu.memory_space<hbm>>
          %dma_start3A_184 = tpu.memref_squeeze %dma_start3A_183 : memref<1x1x4096xf32, #tpu.memory_space<hbm>> -> memref<4096xf32, #tpu.memory_space<hbm>>
          %dma_start3A_185 = arith.constant 0 : i32
          %dma_start3A_186 = tpu.memref_slice %arg5[%add3A_143, %add3A_37, %dma_start3A_185] : memref<200x64x4096xf32, #tpu.memory_space<hbm>> -> memref<1x1x4096xf32, #tpu.memory_space<hbm>>
          %dma_start3A_187 = tpu.memref_squeeze %dma_start3A_186 : memref<1x1x4096xf32, #tpu.memory_space<hbm>> -> memref<4096xf32, #tpu.memory_space<hbm>>
          tpu.enqueue_dma source(%arg10 : memref<4096xf32, #tpu.memory_space<vmem>>) target(%dma_start3A_187 : memref<4096xf32, #tpu.memory_space<hbm>>) target_semaphore(%arg17 : memref<!tpu.dma_semaphore, #tpu.memory_space<semaphore_mem>>)
        } else {
        }
      }
      %scan3A_88 = arith.constant 4 : i32
      %add3A_89 = arith.constant 192 : i32
      %add3A_90 = arith.addi %arg1, %add3A_89 : i32
      %lt3A_91 = arith.constant 200 : i32
      %lt3A_92 = arith.cmpi slt, %add3A_90, %lt3A_91 : i32
      %convert_element_type3A_93 = arith.extui %lt3A_92 : i1 to i32
      %cond3A_94 = arith.constant false
      %cond3A_95 = arith.constant 0 : i32
      %cond3A_96 = arith.cmpi ne, %convert_element_type3A_93, %cond3A_95 : i32
      scf.if %cond3A_96 {
        %not3A = arith.constant true
        %not3A_103 = arith.xori %cond3A_94, %not3A : i1
        %convert_element_type3A_104 = arith.extui %not3A_103 : i1 to i32
        %cond3A_105 = arith.constant 0 : i32
        %cond3A_106 = arith.cmpi ne, %convert_element_type3A_104, %cond3A_105 : i32
        scf.if %cond3A_106 {
          %dma_wait3A_112 = arith.constant 0 : i32
          %dma_wait3A_113 = arith.constant 0 : i32
          %dma_wait3A_114 = arith.constant 0 : i32
          %dma_wait3A_115 = tpu.memref_slice %arg5[%dma_wait3A_112, %dma_wait3A_113, %dma_wait3A_114] : memref<200x64x4096xf32, #tpu.memory_space<hbm>> -> memref<1x1x4096xf32, #tpu.memory_space<hbm>>
          %dma_wait3A_116 = tpu.memref_squeeze %dma_wait3A_115 : memref<1x1x4096xf32, #tpu.memory_space<hbm>> -> memref<4096xf32, #tpu.memory_space<hbm>>
          %dma_wait3A_117 = arith.constant 0 : i32
          %dma_wait3A_118 = tpu.memref_slice %arg5[%dma_wait3A_112, %dma_wait3A_113, %dma_wait3A_117] : memref<200x64x4096xf32, #tpu.memory_space<hbm>> -> memref<1x1x4096xf32, #tpu.memory_space<hbm>>
          %dma_wait3A_119 = tpu.memref_squeeze %dma_wait3A_118 : memref<1x1x4096xf32, #tpu.memory_space<hbm>> -> memref<4096xf32, #tpu.memory_space<hbm>>
          tpu.wait_dma2 semaphore(%arg15 : memref<!tpu.dma_semaphore, #tpu.memory_space<semaphore_mem>>) src(%arg8 : memref<4096xf32, #tpu.memory_space<vmem>>) dst(%dma_wait3A_119 : memref<4096xf32, #tpu.memory_space<hbm>>)
        } else {
        }
        %multiple_of3A_107 = arith.constant 49152 : i32
        %multiple_of3A_108 = tpu.assume_multiple %multiple_of3A_107, 8 : i32
        %dma_start3A_109 = tpu.memref_slice %arg7[%multiple_of3A_108] : memref<53248xi32, #tpu.memory_space<vmem>> -> memref<4096xi32, #tpu.memory_space<vmem>>
        %dma_start3A_110 = arith.constant 0 : i32
        %dma_start3A_111 = tpu.memref_slice %arg6[%dma_start3A_110] : memref<1000064xf32, #tpu.memory_space<vmem_shared>> -> memref<1000064xf32, #tpu.memory_space<vmem_shared>>
        tpu.enqueue_indirect_dma source(%dma_start3A_111 : memref<1000064xf32, #tpu.memory_space<vmem_shared>>) target(%arg8 : memref<4096xf32, #tpu.memory_space<vmem>>) offsets(%dma_start3A_109 : memref<4096xi32, #tpu.memory_space<vmem>>) semaphore(%arg12 : memref<!tpu.dma_semaphore, #tpu.memory_space<semaphore_mem>>)
      } else {
      }
      %lt3A_97 = arith.constant 200 : i32
      %lt3A_98 = arith.cmpi slt, %add3A_90, %lt3A_97 : i32
      %convert_element_type3A_99 = arith.extui %lt3A_98 : i1 to i32
      %cond3A_100 = arith.constant 0 : i32
      %cond3A_101 = arith.cmpi ne, %convert_element_type3A_99, %cond3A_100 : i32
      scf.if %cond3A_101 {
        %multiple_of3A_103 = arith.constant 49152 : i32
        %multiple_of3A_104 = tpu.assume_multiple %multiple_of3A_103, 8 : i32
        %dma_wait3A_105 = tpu.memref_slice %arg7[%multiple_of3A_104] : memref<53248xi32, #tpu.memory_space<vmem>> -> memref<4096xi32, #tpu.memory_space<vmem>>
        %dma_wait3A_106 = arith.constant 0 : i32
        %dma_wait3A_107 = tpu.memref_slice %arg6[%dma_wait3A_106] : memref<1000064xf32, #tpu.memory_space<vmem_shared>> -> memref<1000064xf32, #tpu.memory_space<vmem_shared>>
        tpu.wait_indirect_dma semaphore(%arg12 : memref<!tpu.dma_semaphore, #tpu.memory_space<semaphore_mem>>) src(%dma_wait3A_107 : memref<1000064xf32, #tpu.memory_space<vmem_shared>>) dst(%arg8 : memref<4096xf32, #tpu.memory_space<vmem>>)
        %dma_start3A_108 = arith.constant 0 : i32
        %dma_start3A_109 = tpu.memref_slice %arg5[%add3A_90, %add3A_37, %dma_start3A_108] : memref<200x64x4096xf32, #tpu.memory_space<hbm>> -> memref<1x1x4096xf32, #tpu.memory_space<hbm>>
        %dma_start3A_110 = tpu.memref_squeeze %dma_start3A_109 : memref<1x1x4096xf32, #tpu.memory_space<hbm>> -> memref<4096xf32, #tpu.memory_space<hbm>>
        %dma_start3A_111 = arith.constant 0 : i32
        %dma_start3A_112 = tpu.memref_slice %arg5[%add3A_90, %add3A_37, %dma_start3A_111] : memref<200x64x4096xf32, #tpu.memory_space<hbm>> -> memref<1x1x4096xf32, #tpu.memory_space<hbm>>
        %dma_start3A_113 = tpu.memref_squeeze %dma_start3A_112 : memref<1x1x4096xf32, #tpu.memory_space<hbm>> -> memref<4096xf32, #tpu.memory_space<hbm>>
        tpu.enqueue_dma source(%arg8 : memref<4096xf32, #tpu.memory_space<vmem>>) target(%dma_start3A_113 : memref<4096xf32, #tpu.memory_space<hbm>>) target_semaphore(%arg15 : memref<!tpu.dma_semaphore, #tpu.memory_space<semaphore_mem>>)
      } else {
      }
      %barrier3A_102 = arith.constant 0 : index
      tpu.barrier barrier_id(%barrier3A_102)
    }
    %scan3A_9 = arith.constant 32 : i32
    %dma_wait3A = arith.constant 0 : i32
    %dma_wait3A_10 = arith.constant 0 : i32
    %dma_wait3A_11 = arith.constant 0 : i32
    %dma_wait3A_12 = tpu.memref_slice %arg5[%dma_wait3A, %dma_wait3A_10, %dma_wait3A_11] : memref<200x64x4096xf32, #tpu.memory_space<hbm>> -> memref<1x1x4096xf32, #tpu.memory_space<hbm>>
    %dma_wait3A_13 = tpu.memref_squeeze %dma_wait3A_12 : memref<1x1x4096xf32, #tpu.memory_space<hbm>> -> memref<4096xf32, #tpu.memory_space<hbm>>
    %dma_wait3A_14 = arith.constant 0 : i32
    %dma_wait3A_15 = tpu.memref_slice %arg5[%dma_wait3A, %dma_wait3A_10, %dma_wait3A_14] : memref<200x64x4096xf32, #tpu.memory_space<hbm>> -> memref<1x1x4096xf32, #tpu.memory_space<hbm>>
    %dma_wait3A_16 = tpu.memref_squeeze %dma_wait3A_15 : memref<1x1x4096xf32, #tpu.memory_space<hbm>> -> memref<4096xf32, #tpu.memory_space<hbm>>
    tpu.wait_dma2 semaphore(%arg15 : memref<!tpu.dma_semaphore, #tpu.memory_space<semaphore_mem>>) src(%arg8 : memref<4096xf32, #tpu.memory_space<vmem>>) dst(%dma_wait3A_16 : memref<4096xf32, #tpu.memory_space<hbm>>)
    %dma_wait3A_17 = arith.constant 0 : i32
    %dma_wait3A_18 = arith.constant 0 : i32
    %dma_wait3A_19 = arith.constant 0 : i32
    %dma_wait3A_20 = tpu.memref_slice %arg5[%dma_wait3A_17, %dma_wait3A_18, %dma_wait3A_19] : memref<200x64x4096xf32, #tpu.memory_space<hbm>> -> memref<1x1x4096xf32, #tpu.memory_space<hbm>>
    %dma_wait3A_21 = tpu.memref_squeeze %dma_wait3A_20 : memref<1x1x4096xf32, #tpu.memory_space<hbm>> -> memref<4096xf32, #tpu.memory_space<hbm>>
    %dma_wait3A_22 = arith.constant 0 : i32
    %dma_wait3A_23 = tpu.memref_slice %arg5[%dma_wait3A_17, %dma_wait3A_18, %dma_wait3A_22] : memref<200x64x4096xf32, #tpu.memory_space<hbm>> -> memref<1x1x4096xf32, #tpu.memory_space<hbm>>
    %dma_wait3A_24 = tpu.memref_squeeze %dma_wait3A_23 : memref<1x1x4096xf32, #tpu.memory_space<hbm>> -> memref<4096xf32, #tpu.memory_space<hbm>>
    tpu.wait_dma2 semaphore(%arg16 : memref<!tpu.dma_semaphore, #tpu.memory_space<semaphore_mem>>) src(%arg9 : memref<4096xf32, #tpu.memory_space<vmem>>) dst(%dma_wait3A_24 : memref<4096xf32, #tpu.memory_space<hbm>>)
    %dma_wait3A_25 = arith.constant 0 : i32
    %dma_wait3A_26 = arith.constant 0 : i32
    %dma_wait3A_27 = arith.constant 0 : i32
    %dma_wait3A_28 = tpu.memref_slice %arg5[%dma_wait3A_25, %dma_wait3A_26, %dma_wait3A_27] : memref<200x64x4096xf32, #tpu.memory_space<hbm>> -> memref<1x1x4096xf32, #tpu.memory_space<hbm>>
    %dma_wait3A_29 = tpu.memref_squeeze %dma_wait3A_28 : memref<1x1x4096xf32, #tpu.memory_space<hbm>> -> memref<4096xf32, #tpu.memory_space<hbm>>
    %dma_wait3A_30 = arith.constant 0 : i32
    %dma_wait3A_31 = tpu.memref_slice %arg5[%dma_wait3A_25, %dma_wait3A_26, %dma_wait3A_30] : memref<200x64x4096xf32, #tpu.memory_space<hbm>> -> memref<1x1x4096xf32, #tpu.memory_space<hbm>>
    %dma_wait3A_32 = tpu.memref_squeeze %dma_wait3A_31 : memref<1x1x4096xf32, #tpu.memory_space<hbm>> -> memref<4096xf32, #tpu.memory_space<hbm>>
    tpu.wait_dma2 semaphore(%arg17 : memref<!tpu.dma_semaphore, #tpu.memory_space<semaphore_mem>>) src(%arg10 : memref<4096xf32, #tpu.memory_space<vmem>>) dst(%dma_wait3A_32 : memref<4096xf32, #tpu.memory_space<hbm>>)
    return
  }
}

</mosaic_0001>

<sc_bundles>
// kernel: kernel.3.cloned.1.call-start
scs
__scs_entry_jumppad:
0x0: {  	(pc) =	sbr.rel $0x88, $3  }
0x1: {  	(tag) =	ssettag $0x0;
	lr =	simm.s32 $0x1  }
0x2: {  	[smem:$0x3F9F] =	sst lr;
	_ =	strace $0xD0000000  }
0x3: {  	_ = 	snop  }
0x4: {  	_ = 	snop  }
0x5: {  	_ = 	snop  }
0x6: {  	_ = 	snop  }
0x7: {  	_ = 	snop  }
__scs_overlays_trampoline_lowered:
0x8: {  	[smem:$0x3FAE] =	sst s0  }
0x9: {  	[smem:$0x3FAF] =	sst s1  }
0xa: {  	[smem:$0x3FB0] =	sst s2  }
0xb: {  	[smem:$0x3FB1] =	sst s3  }
0xc: {  	[smem:$0x3FB2] =	sst s4  }
0xd: {  	[smem:$0x3FB3] =	sst s5  }
0xe: {  	[smem:$0x3FB4] =	sst s6  }
0xf: {  	[smem:$0x3FB5] =	sst s7  }
0x10: {  	[smem:$0x3FB6] =	sst s8  }
0x11: {  	[smem:$0x3FB7] =	sst s9;
	s0 =	simm.s32 @!p0 $0x0  }
0x12: {  	s1 =	sld [smem:$0x3F9D];
	s0 =	simm.s32 @p0 $0x1  }
0x13: {  	[smem:$0x3FB8] =	sst s0;
	s0 =	simm.s32 @!p1 $0x0  }
0x14: {  	s2 =	sld [smem:$0x3F9C];
	s0 =	simm.s32 @p1 $0x1  }
0x15: {  	[smem:$0x3FB9] =	sst s0;
	s0 =	simm.s32 @!p2 $0x0  }
0x16: {  	s3 =	sld [smem:$0x3FDB];
	s0 =	simm.s32 @p2 $0x1  }
0x17: {  	s4 =	simm.s32 $0x1BF5;
	[smem:$0x3FBB] =	sst s0  }
0x18: {  	s0 =	sld [smem:$0x3F9E];
	_ =	swait.ge [sflag:s4], $0x0  }
0x19: {  	s7 =	sld [smem:$0x3F9F]  }
0x1a: {  	s8 =	sadd.s32 $0xFFFFE003, lr  }
0x1b: {  	s9 =	sadd.s32 $0xFFFFFEF7, lr;
	s5 =	simm.s32 $0xFFFFFFFF;
	p2 =	slt.u32 s8, $0xFFFFF086  }
0x1c: {  	p1 =	slt.u32 s9, $0xF7A;
	s5 =	simm.s32 @!p2 $0x0  }
0x1d: {  	s5 =	simm.s32 @p1 $0x1;
	p0 =	seq.s32 s7, s2  }
0x1e: {  	s7 =	smul.u32 @!p0 $0xF7A, s2;
	p2 =	seq.s32 @!p0 s5, $0x0  }
0x1f: {  	s9 =	smul.u32 $0xF7A, s1;
	s8 =	simm.s32 @!p0 $0x1BF5;
	p2 =	por !p2, p0  }
0x20: {  	[sflag:s8] =	ssyncset.s32 @!p0 $0xFFFFF086;
	s6 =	sadd.s32 @!p0 s3, s7;
	s7 =	simm.s32 @!p0 $0x108  }
0x21: {  	s3 =	sadd.s32 s3, s9;
	s6 =	sadd.s32 @!p0 $0x88, s6;
	s7 =	simm.s32 @p2 $0x1082  }
0x22: {  	[simem:s7], [sflag:s8] =	dma.local @!p0 [hbm:s6], $0xF7A  }
0x23: {  	s9 =	sor.u32 $0xD0000000, s2;
	s6 =	simm.s32 $0x108;
	_ =	swait.ge @!p0 [sflag:s8], $0x0  }
0x24: {  	s3 =	sadd.s32 $0x88, s3;
	s6 =	simm.s32 @!p1 $0x1082;
	[sflag:s4] =	ssyncset.s32 $0xFFFFF086  }
0x25: {  	[simem:s6], [sflag:s4] =	dma.local [hbm:s3], $0xF7A  }
0x26: {  	[smem:$0x3F9F] =	sst s1;
	(tag) =	ssettag s2;
	_ =	strace s9  }
0x27: {  	s1 =	sld [smem:$0x3FAF]  }
0x28: {  	s2 =	sld [smem:$0x3FB0]  }
0x29: {  	s4 =	sld [smem:$0x3FB2]  }
0x2a: {  	p0 =	seq.s32 s5, $0x0;
	s5 =	sld [smem:$0x3FB3]  }
0x2b: {  	s6 =	sld [smem:$0x3FB4]  }
0x2c: {  	s7 =	sld [smem:$0x3FB5]  }
0x2d: {  	s3 =	simm.s32 $0x108;
	s8 =	sld [smem:$0x3FB6]  }
0x2e: {  	s3 =	simm.s32 @!p0 $0x1082;
	s9 =	sld [smem:$0x3FB7]  }
0x2f: {  	lr =	sadd.s32 s0, s3;
	s0 =	sld [smem:$0x3FAE]  }
0x30: {  	s3 =	sld [smem:$0x3FB1]  }
0x31: {  	[smem:$0x3FBA] =	sst s10  }
0x32: {  	s10 =	sld [smem:$0x3FB8];
	_ =	sdelay $0x3  }
0x33: {  	p0 =	seq.s32 s10, $0x1;
	s10 =	sld [smem:$0x3FBA];
	_ =	sdelay $0x3  }
0x34: {  	[smem:$0x3FBA] =	sst s10  }
0x35: {  	s10 =	sld [smem:$0x3FB9];
	_ =	sdelay $0x3  }
0x36: {  	p1 =	seq.s32 s10, $0x1;
	s10 =	sld [smem:$0x3FBA];
	_ =	sdelay $0x3  }
0x37: {  	[smem:$0x3FBA] =	sst s10  }
0x38: {  	s10 =	sld [smem:$0x3FBB]  }
0x39: {  	_ = 	snop;
	(pc) =	sbr.ind lr, $3  }
0x3a: {  	_ = 	snop  }
0x3b: {  	_ = 	snop  }
0x3c: {  	p2 =	seq.s32 s10, $0x1;
	s10 =	sld [smem:$0x3FBA]  }
0x3d: {  	_ =	shalt  }
0x3e: {  	_ =	shalt  }
0x3f: {  	_ =	shalt  }
0x40: {  	_ =	shalt  }
0x41: {  	_ =	shalt  }
0x42: {  	_ =	shalt  }
0x43: {  	_ =	shalt  }
0x44: {  	_ =	shalt  }
0x45: {  	_ =	shalt  }
0x46: {  	_ =	shalt  }
0x47: {  	_ =	shalt  }
0x48: {  	_ =	shalt  }
0x49: {  	_ =	shalt  }
0x4a: {  	_ =	shalt  }
0x4b: {  	_ =	shalt  }
0x4c: {  	_ =	shalt  }
0x4d: {  	_ =	shalt  }
0x4e: {  	_ =	shalt  }
0x4f: {  	_ =	shalt  }
0x50: {  	_ =	shalt  }
0x51: {  	_ =	shalt  }
0x52: {  	_ =	shalt  }
0x53: {  	_ =	shalt  }
0x54: {  	_ =	shalt  }
0x55: {  	_ =	shalt  }
0x56: {  	_ =	shalt  }
0x57: {  	_ =	shalt  }
0x58: {  	_ =	shalt  }
0x59: {  	_ =	shalt  }
0x5a: {  	_ =	shalt  }
0x5b: {  	_ =	shalt  }
0x5c: {  	_ =	shalt  }
0x5d: {  	_ =	shalt  }
0x5e: {  	_ =	shalt  }
0x5f: {  	_ =	shalt  }
0x60: {  	_ =	shalt  }
0x61: {  	_ =	shalt  }
0x62: {  	_ =	shalt  }
0x63: {  	_ =	shalt  }
0x64: {  	_ =	shalt  }
0x65: {  	_ =	shalt  }
0x66: {  	_ =	shalt  }
0x67: {  	_ =	shalt  }
0x68: {  	_ =	shalt  }
0x69: {  	_ =	shalt  }
0x6a: {  	_ =	shalt  }
0x6b: {  	_ =	shalt  }
0x6c: {  	_ =	shalt  }
0x6d: {  	_ =	shalt  }
0x6e: {  	_ =	shalt  }
0x6f: {  	_ =	shalt  }
0x70: {  	_ =	shalt  }
0x71: {  	_ =	shalt  }
0x72: {  	_ =	shalt  }
0x73: {  	_ =	shalt  }
0x74: {  	_ =	shalt  }
0x75: {  	_ =	shalt  }
0x76: {  	_ =	shalt  }
0x77: {  	_ =	shalt  }
0x78: {  	_ =	shalt  }
0x79: {  	_ =	shalt  }
0x7a: {  	_ =	shalt  }
0x7b: {  	_ =	shalt  }
0x7c: {  	_ =	shalt  }
0x7d: {  	_ =	shalt  }
0x7e: {  	_ =	shalt  }
0x7f: {  	_ =	shalt  }
0x80: {  	_ =	shalt  }
0x81: {  	_ =	shalt  }
0x82: {  	_ =	shalt  }
0x83: {  	_ =	shalt  }
0x84: {  	_ =	shalt  }
0x85: {  	_ =	shalt  }
0x86: {  	_ =	shalt  }
0x87: {  	_ =	shalt  }
.Lfunc_end0:
.L_simem_size_0:
called_computation_lowered:
.L_overlay_start_0:
0x88: {  	s2 =	sld [smem:$0x3FD9]  }
0x89: {  	s3 =	sld [smem:$0x3FFE];
	_ =	sdelay $0x1  }
0x8a: {  	s1 =	srdreg.scid  }
0x8b: {  	s0 =	sand.u32 $0x1, s1  }
0x8c: {  	s17 =	sshll.u32 s0, $0xA;
	s2 =	sadd.s32 s3, s2  }
0x8d: {  	s2 =	sadd.s32 s2, s17  }
0x8e: {  	[smem:$0x3FC6] =	sst s2  }
0x8f: {  	_ = 	snop  }
0x90: {  	s2 =	sld [smem:$0x3FC9]  }
0x91: {  	s18 =	sld [smem:$0x3FC8]  }
0x92: {  	s4 =	sld [smem:$0x3FD0];
	(tm) =	ssettm $0x1  }
0x93: {  	s5 =	sld [smem:$0x3FFB];
	_ =	sdelay $0x3  }
0x94: {  	_ =	strace s5  }
0x95: {  	s5 =	sld [smem:$0x3FFC];
	_ =	sdelay $0x3  }
0x96: {  	_ =	strace s5  }
0x97: {  	s5 =	sld [smem:$0x3FFD];
	_ =	sdelay $0x3  }
0x98: {  	_ =	strace s5  }
0x99: {  	_ =	strace $0x8FFFFFFF  }
0x9a: {  	s19 =	sld [smem:$0x3FDB];
	_ =	sdelay $0x1  }
0x9b: {  	s6 =	simm.s32 $_scs_section_size  }
0x9c: {  	s7 =	simm.s32 $_size__tile_overlayer_lowered;
	s8 =	simm.s32 $_tile_overlayer_lowered  }
0x9d: {  	s22 =	simm.s32 $0x1BFF;
	s21 =	sshll.u32 s8, $0x1;
	s5 =	sadd.s32 s6, s19  }
0x9e: {  	s9 =	simm.s32 $0x0;
	s20 =	sshll.u32 s7, $0x1;
	s7 =	sadd.s32 s21, s5  }
0x9f: {  	[timem:s9], [sflag:s22] =	dma.local [hbm:s7], s20  }
0xa0: {  	_ =	swait.ge [sflag:s22], s20  }
0xa1: {  	s6 =	ssub.s32 $0x0, s20;
	[sflag:s22] =	ssyncset.done $0x0  }
0xa2: {  	[sflag:s22] =	ssyncadd.s32 s6;
	_ =	sdelay $0x1  }
0xa3: {  	s23 =	simm.s32 $0x1B8B  }
0xa4: {  	_ =	swait.ge [sflag:s23], $0x1  }
0xa5: {  	[sflag:s23] =	ssyncset.done $0x0  }
0xa6: {  	s25 =	simm.s32 $0x1B8E;
	s24 =	sld [smem:$0x3FFE];
	[sflag:s23] =	ssyncadd.s32 $0xFFFFFFFF  }
0xa7: {  	s26 =	simm.s32 $execute0_lowered;
	[smem:$0x3FD2] =	sst s25  }
0xa8: {  	s7 =	sshll.u32 s26, $0x1;
	_ =	strace $0x80000046;
	[dreg:$0x1] =	wrdreg $0xFFFFFFFF  }
0xa9: {  	s28 =	simm.s32 $_size_execute0_lowered;
	s5 =	sadd.s32 s5, s7;
	[dreg:$0x0] =	wrdreg $0x0  }
0xaa: {  	s7 =	sshll.u32 s28, $0x1;
	[dreg:$0x2] =	wrdreg s5  }
0xab: {  	[dreg:$0x3] =	wrdreg s7  }
0xac: {  	[dreg:$0x4] =	wrdreg $0xC0  }
0xad: {  	_ =	task [dreg:s9], $0x5FFFF  }
0xae: {  	[dreg:$0x1] =	wrdreg $0xFFFFFFFF  }
0xaf: {  	[dreg:$0x0] =	wrdreg $0x60  }
0xb0: {  	[dreg:$0x2] =	wrdreg s2  }
0xb1: {  	[dreg:$0x3] =	wrdreg s18  }
0xb2: {  	[dreg:$0x4] =	wrdreg s24  }
0xb3: {  	[dreg:$0x5] =	wrdreg s4  }
0xb4: {  	[dreg:$0x6] =	wrdreg $0x0  }
0xb5: {  	[dreg:$0x7] =	wrdreg $0x9  }
0xb6: {  	_ =	task.clear_ibuf [dreg:s9], $0x8FFFF;
	_ =	strace $0x90000046  }
0xb7: {  	s29 =	simm.s32 $0x9;
	_ =	strace $0x80000048  }
0xb8: {  	_ =	swait.ge [sflag:s29], $0x1  }
0xb9: {  	[sflag:s29] =	ssyncadd.s32 $0xFFFFFFFF  }
0xba: {  	_ =	strace $0x90000048  }
0xbb: {  	_ =	sfence  }
0xbc: {  	s30 =	sld [smem:$0x0];
	_ =	sdelay $0x2  }
0xbd: {  	s31 =	sshll.u32 s1, $0xD;
	s1 =	sshrl.u32 s1, $0x2  }
0xbe: {  	s3 =	sand.u32 $0x4000, s31;
	s1 =	sadd.s32 s1, s30  }
0xbf: {  	s0 =	sor.u32 s3, s0;
	s1 =	sshll.u32 s1, $0x11  }
0xc0: {  	s0 =	sor.u32 s1, s0  }
0xc1: {  	s0 =	sadd.s32 $0x8F2B, s0  }
0xc2: {  	[sflag:s0] =	ssyncadd.remote.s32 $0x1  }
0xc3: {  	_ =	sfence.sel $0xFFFF  }
0xc4: {  	[dreg:$0x0] =	wrdreg $0xFFFFFFFF;
	(pc) =	sbr.abs _section_cstart, $3  }
0xc5: {  	[dreg:$0x1] =	wrdreg $0xFFFFFFFF  }
0xc6: {  	_ =	task.clear_ibuf [dreg:s9], $0x2FFFF;
	_ =	strace $0x9FFFFFFF  }
0xc7: {  	(tm) =	ssettm $0x7FFFFFFF  }
tec
execute0_lowered:
.L_overlay_start_1:
0x0: {  	(tag) =	ssettag $0x1  }
0x1: {  	s1 =	rddreg [dreg:$0x0]  }
0x2: {  	s0 =	rddreg [dreg:$0x2]  }
0x3: {  	s11 =	rddreg [dreg:$0x3]  }
0x4: {  	s4 =	rddreg [dreg:$0x4];
	s12 =	simm.s32 $0x0  }
0x5: {  	s2 =	srdreg.scid;
	s13 =	stileid.u32;
	s26 =	simm.s32 $0x1000  }
0x6: {  	s30 =	simm.s32 $0x1C428;
	s31 =	simm.s32 $0x1D428;
	s28 =	simm.s32 $0x3  }
0x7: {  	s29 =	simm.s32 $0x4;
	[smem:$0x7FF] =	sst s12;
	s2 =	sand.u32 $0x1, s2  }
0x8: {  	s0 =	sadd.s32 $0x400, s0;
	s5 =	smul.u32 $0x3D000, s13;
	s8 =	sand.u32 $0x7, s13  }
0x9: {  	s18 =	sshll.u32 s13, $0x7;
	s21 =	smul.u32 $0x7A000, s13;
	s22 =	sor.u32 $0xC0, s13  }
0xa: {  	s6 =	sadd.s32 $0xF4200, s4;
	s7 =	sadd.s32 $0xF4000, s4;
	s14 =	sshll.u32 s13, $0xF  }
0xb: {  	s15 =	sshrl.u32 s13, $0x3;
	_ =	strace $0x80000047;
	[dreg:$0xb] =	wrdreg s0  }
0xc: {  	p6 =	seq.s32 s13, $0x2;
	s3 =	ssub.s32 $0x2, s2;
	[dreg:$0x6] =	wrdreg s26  }
0xd: {  	s9 =	sand.u32 $0x380, s18;
	s19 =	sshll.u32 s2, $0x5;
	[dreg:$0x8] =	wrdreg s30  }
0xe: {  	s10 =	sshll.u32 s22, $0xF;
	s23 =	sadd.s32 s14, s11;
	[dreg:$0x9] =	wrdreg s31  }
0xf: {  	s24 =	sshll.u32 s2, $0xE;
	p1 =	sne.s32 @!p6 s13, $0x1;
	[dreg:$0xc] =	wrdreg s19  }
0x10: {  	s2 =	sshrl.u32 @p6 s6, $0x3;
	p2 =	sgt.u32 s22, $0xC7;
	[dreg:$0xd] =	wrdreg s21  }
0x11: {  	s26 =	simm.s32 $0x400;
	s17 =	sshrl.u32 s3, $0x1;
	[dreg:$0x10] =	wrdreg s23  }
0x12: {  	s20 =	sshrl.u32 s5, $0x2;
	s10 =	sadd.s32 s11, s10;
	[dreg:$0x11] =	wrdreg s24  }
0x13: {  	p1 =	por p1, p6;
	[dreg:$0x13] =	wrdreg s2;
	s0 =	ssub.s32 s3, s17  }
.Ltmp0:
0x14: {  	[dreg:$0xe] =	wrdreg s10;
	s2 =	sshrl.u32 @!p1 s7, $0x3;
	(pc) =	sbr.rel .LBB2_1-.Ltmp0, $4  }
0x15: {  	s3 =	sadd.s32 s20, s4;
	s0 =	smax.u32 s0, $0x1;
	[dreg:$0x14] =	wrdreg s2  }
0x16: {  	s25 =	sshrl.u32 s3, $0x3;
	[dreg:$0xf] =	wrdreg s0;
	s0 =	simm.s32 @!p6 $0x0  }
0x17: {  	s21 =	simm.s32 $0x80;
	[dreg:$0x12] =	wrdreg s25;
	s0 =	simm.s32 @p6 $0x1  }
0x18: {  	s24 =	simm.s32 $0x1E428;
	s25 =	simm.s32 $0x2;
	[smem:$0x7FD] =	sst s0  }
.LBB2_10:
0x19: {  	s0 =	simm.s32 $0x5  }
0x1a: {  	_ =	swait.ge [sflag:s0], $0x1000  }
0x1b: {  	[sflag:s0] =	ssyncset.done $0x0  }
0x1c: {  	s30 =	simm.s32 $0x6;
	[sflag:s0] =	ssyncadd.s32 $0xFFFFF000  }
0x1d: {  	_ =	swait.ge [sflag:s30], $0x1000  }
0x1e: {  	[sflag:s30] =	ssyncset.done $0x0  }
0x1f: {  	s2 =	simm.s32 $0x7;
	[sflag:s30] =	ssyncadd.s32 $0xFFFFF000  }
0x20: {  	_ =	swait.ge [sflag:s2], $0x1000  }
0x21: {  	s12 =	rddreg [dreg:$0xa]  }
0x22: {  	s31 =	rddreg [dreg:$0xf];
	s12 =	sadd.s32 $0x1, s12  }
0x23: {  	p0 =	sne.s32 s12, s31  }
.Ltmp1:
0x24: {  	_ = 	snop;
	(pc) =	sbr.rel @!p0 .LBB2_11-.Ltmp1, $3  }
0x25: {  	_ =	sdelay $0x1  }
0x26: {  	[sflag:s2] =	ssyncset.done $0x0  }
0x27: {  	[sflag:s2] =	ssyncadd.s32 $0xFFFFF000  }
.LBB2_1:
0x28: {  	s5 =	stileid.u32  }
0x29: {  	p3 =	sgt.u32 s5, $0xC7  }
0x2a: {  	p4 =	sne.s32 @!p3 s8, $0x0;
	p5 =	seq.s32 @!p3 s5, $0x0  }
0x2b: {  	p4 =	por @!p3 !p4, !p5  }
0x2c: {  	p4 =	por @!p3 !p4, !p4;
	p3 =	por p3, p3  }
0x2d: {  	s0 =	simm.s32 @!p3 $0x1;
	p4 =	por !p4, p3  }
0x2e: {  	s2 =	sadd.s32 @!p3 $0x0, s15;
	s0 =	simm.s32 @p4 $0x0  }
0x2f: {  	[dreg:$0xa] =	wrdreg s12;
	s2 =	ssub.s32 @!p3 s2, s0  }
0x30: {  	s7 =	simm.s32 $0xF428;
	s3 =	simm.s32 $0x4;
	s2 =	sshll.u32 @!p3 s2, $0xF  }
0x31: {  	s5 =	sadd.s32 $0x10, s5;
	s10 =	simm.s32 @!p3 $0x400;
	s2 =	sor.u32 @!p3 s9, s2  }
0x32: {  	s6 =	simm.s32 @!p3 $0x8;
	s11 =	simm.s32 @!p3 $0x80;
	s2 =	sshrl.u32 @!p3 s2, $0x3  }
0x33: {  	p4 =	sgt.u32 s5, $0xC7;
	s0 =	simm.s32 $0x2;
	s2 =	sadd.s32 @!p3 s1, s2  }
0x34: {  	[tilespmem:s7], [sflag:$0x8] =	stream.strided.gather @!p3 [hbm4b:s2+s11], $0x1000, s10, s11, $0x38;
	[tilespmem:$0x1F428] =	vst v63  }
0x35: {  	p5 =	sne.s32 @!p4 s8, $0x0;
	p6 =	seq.s32 @!p4 s5, $0x0;
	_ =	swait.ge @!p3 [sflag:s6], $0x1000  }
0x36: {  	p6 =	por @!p4 !p5, !p6;
	s2 =	simm.s32 $0x10428;
	[sflag:s6] =	ssyncset.done @!p3 $0x0  }
.LBB2_2:
0x37: {  	p6 =	por @!p4 !p6, !p6;
	[sflag:s6] =	ssyncadd.s32 @!p3 $0xFFFFF000  }
0x38: {  	s6 =	smov.u32 s3;
	s3 =	sadd.s32 $0x2, s3;
	p3 =	por p4, p4  }
0x39: {  	p5 =	sne.s32 s3, $0x1A;
	s7 =	simm.s32 @!p3 $0x1;
	p4 =	por !p6, p3  }
0x3a: {  	s10 =	sadd.s32 @!p3 s0, s15;
	s0 =	smov.u32 s6;
	s7 =	simm.s32 @p4 $0x0  }
0x3b: {  	s6 =	ssub.s32 @!p3 s10, s7  }
0x3c: {  	s6 =	sshll.u32 @!p3 s6, $0xF  }
0x3d: {  	s5 =	sadd.s32 $0x10, s5;
	s10 =	simm.s32 @!p3 $0x400;
	s6 =	sor.u32 @!p3 s9, s6  }
.Ltmp2:
0x3e: {  	s7 =	sshrl.u32 @!p3 s6, $0x3;
	s6 =	simm.s32 @!p3 $0x8;
	(pc) =	sbr.rel @p5 .LBB2_2-.Ltmp2, $4  }
0x3f: {  	s11 =	simm.s32 @!p3 $0x80;
	p4 =	sgt.u32 s5, $0xC7;
	s7 =	sadd.s32 @!p3 s1, s7  }
0x40: {  	[tilespmem:s2], [sflag:$0x8] =	stream.strided.gather @!p3 [hbm4b:s7+s11], $0x1000, s10, s11, $0x38;
	[tilespmem:$0x1F428] =	vst v63  }
0x41: {  	p6 =	sne.s32 @!p4 s8, $0x0;
	p0 =	seq.s32 @!p4 s5, $0x0;
	_ =	swait.ge @!p3 [sflag:s6], $0x1000  }
0x42: {  	p6 =	por @!p4 !p6, !p0;
	s2 =	sadd.s32 $0x1000, s2;
	[sflag:s6] =	ssyncset.done @!p3 $0x0  }
0x43: {  	p0 =	por @!p4 !p6, !p6;
	p4 =	por p4, p4  }
0x44: {  	s3 =	simm.s32 @!p4 $0x1;
	p0 =	por !p0, p4  }
0x45: {  	s0 =	sadd.s32 @!p4 s0, s15;
	s3 =	simm.s32 @p0 $0x0  }
0x46: {  	s0 =	ssub.s32 @!p4 s0, s3  }
0x47: {  	s0 =	sshll.u32 @!p4 s0, $0xF  }
0x48: {  	s0 =	sor.u32 @!p4 s9, s0  }
0x49: {  	[sflag:s6] =	ssyncadd.s32 @!p3 $0xFFFFF000;
	s5 =	simm.s32 @!p4 $0x8;
	s0 =	sshrl.u32 @!p4 s0, $0x3  }
0x4a: {  	s6 =	simm.s32 @!p4 $0x80;
	s3 =	simm.s32 @!p4 $0x400;
	s0 =	sadd.s32 @!p4 s1, s0  }
0x4b: {  	[tilespmem:s2], [sflag:$0x8] =	stream.strided.gather @!p4 [hbm4b:s0+s6], $0x1000, s3, s6, $0x38;
	[tilespmem:$0x1F428] =	vst v63  }
0x4c: {  	_ =	swait.ge @!p4 [sflag:s5], $0x1000  }
0x4d: {  	s23 =	sld [smem:$0x7FD];
	_ =	sdelay $0x1  }
0x4e: {  	s17 =	simm.s32 $0x0;
	s31 =	simm.s32 $0x0;
	[sflag:s5] =	ssyncset.done @!p4 $0x0  }
0x4f: {  	s30 =	rddreg [dreg:$0x11];
	[sflag:s5] =	ssyncadd.s32 @!p4 $0xFFFFF000;
	p6 =	seq.s32 s23, $0x1  }
.LBB2_4:
0x50: {  	s0 =	rddreg [dreg:$0xc]  }
0x51: {  	s2 =	sand.u32 $0x7, s31;
	s0 =	sadd.s32 s0, s31  }
0x52: {  	p3 =	sne.s32 s2, $0x0;
	p0 =	seq.s32 s0, $0x0  }
0x53: {  	s5 =	sand.u32 $0xFFFFF000, s30;
	s6 =	sshll.u32 s31, $0x7;
	p0 =	por !p0, !p3  }
0x54: {  	s7 =	sand.u32 $0x7, s17;
	s2 =	simm.s32 $0x1;
	p0 =	por !p0, !p0  }
0x55: {  	s10 =	rddreg [dreg:$0xd];
	s3 =	sshrl.u32 s0, $0x3;
	s2 =	simm.s32 @!p0 $0x0  }
0x56: {  	s11 =	rddreg [dreg:$0x10];
	s13 =	stileid.u32;
	s2 =	ssub.s32 s3, s2  }
0x57: {  	s18 =	simm.s32 $0x1;
	s6 =	sand.u32 $0x380, s6;
	s3 =	smul.u32 $0x7A1400, s2  }
0x58: {  	s5 =	sadd.s32 s5, s11;
	s7 =	sshll.u32 s7, $0x4;
	s11 =	rddreg [dreg:$0x1]  }
0x59: {  	s5 =	sadd.s32 s7, s5;
	s2 =	sshll.u32 @p6 s2, $0xA;
	s10 =	sadd.s32 s10, s3  }
0x5a: {  	[dreg:$0x7] =	wrdreg s5;
	s2 =	sor.u32 @p6 s6, s2;
	s10 =	sor.u32 s6, s10  }
0x5b: {  	s12 =	sshrl.u32 s10, $0x3;
	s10 =	sshll.u32 s13, $0x6;
	s13 =	simm.s32 $0x10  }
0x5c: {  	s16 =	sadd.s32 s11, s12;
	s7 =	sor.u32 $0x1C01, s10;
	s12 =	rddreg [dreg:$0x12]  }
0x5d: {  	[spmem:s12@s13], [sflag:s7] =	dma.strided [hbm:s16@s21], $0x1E80, s18, $0x10   }
0x5e: {  	s2 =	sshrl.u32 @p6 s2, $0x3;
	s5 =	rddreg [dreg:$0xb]  }
0x5f: {  	s2 =	sadd.s32 @p6 s5, s2;
	s5 =	rddreg [dreg:$0x13]  }
0x60: {  	[spmem:s5], [sflag:s7] =	dma.local @p6 [hbm:s2], $0x10  }
0x61: {  	s2 =	simm.s32 @p6 $0x1  }
0x62: {  	s3 =	sadd.s32 @!p1 s6, s3;
	_ =	swait.ge @p6 [sflag:s2], $0x10  }
0x63: {  	s3 =	sadd.s32 @!p1 $0x7A0000, s3;
	s6 =	simm.s32 @!p1 $0x80;
	[sflag:s2] =	ssyncset.done @p6 $0x0  }
0x64: {  	s3 =	sshrl.u32 @!p1 s3, $0x3;
	s5 =	simm.s32 @!p1 $0x10;
	[sflag:s2] =	ssyncadd.s32 @p6 $0xFFFFFFF0  }
0x65: {  	s2 =	sadd.s32 @!p1 s11, s3;
	s3 =	simm.s32 @!p1 $0x1;
	s11 =	rddreg [dreg:$0x14]  }
0x66: {  	[spmem:s11@s5], [sflag:s7] =	dma.strided @!p1 [hbm:s2@s6], $0x40, s3, $0x10   }
0x67: {  	_ =	swait.ge @!p1 [sflag:s3], $0x40  }
0x68: {  	[sflag:s3] =	ssyncset.done @!p1 $0x0  }
0x69: {  	[sflag:s3] =	ssyncadd.s32 @!p1 $0xFFFFFFC0  }
0x6a: {  	s19 =	sshll.u32 s31, $0x4;
	s23 =	simm.s32 $0x0;
	_ =	swait.ge [sflag:s18], $0x1E80  }
0x6b: {  	s20 =	sshll.u32 s0, $0x9;
	p0 =	por $0x1, $0x1;
	[sflag:s18] =	ssyncset.done $0x0  }
.Ltmp3:
0x6c: {  	s0 =	sand.u32 $0x70, s19;
	[sflag:s18] =	ssyncadd.s32 $0xFFFFE180;
	(pc) =	sbr.rel @!p0 .LBB2_5-.Ltmp3, $4  }
0x6d: {  	p3 =	por $0x0, $0x0;
	s10 =	sor.u32 s31, s23;
	[bflag:$0x0] =	sbarrier.arrive $0xFFFF  }
0x6e: {  	s13 =	simm.s32 $0xF428;
	s5 =	sand.u32 $0x7000, s20;
	s22 =	rddreg [dreg:$0x3]  }
0x6f: {  	s20 =	simm.s32 $0x2;
	[bflag:$0x0] =	sbarrier.arrive $0xFFFF;
	s2 =	sadd.s32 s22, s0  }
0x70: {  	s6 =	simm.s32 $0x80000;
	s7 =	simm.s32 $0x1;
	s3 =	sadd.s32 s5, s2  }
0x71: {  	p3 =	sne.s32 s10, $0x0  }
0x72: {  	s2 =	simm.s32 @p3 $0x5  }
0x73: {  	_ =	swait.ge @p3 [sflag:s2], $0x1000  }
0x74: {  	s10 =	simm.s32 @p3 $0x6;
	[sflag:s2] =	ssyncset.done @p3 $0x0  }
0x75: {  	s11 =	simm.s32 @p3 $0x1C428;
	[sflag:s2] =	ssyncadd.s32 @p3 $0xFFFFF000;
	s2 =	simm.s32 @p3 $0x1000  }
0x76: {  	[tilespmem:s11], [sflag:$0x2] =	stream.indirect.gather @p3 [spmem:s4], $0x1, s13, s2, $0xb8;
	[tilespmem:$0x1F428] =	vst v63  }
0x77: {  	_ =	swait.ge @p3 [sflag:s10], $0x1000  }
0x78: {  	s12 =	simm.s32 @p3 $0x1D428;
	[sflag:s10] =	ssyncset.done @p3 $0x0  }
0x79: {  	s11 =	simm.s32 @p3 $0x7;
	[sflag:s10] =	ssyncadd.s32 @p3 $0xFFFFF000;
	s10 =	simm.s32 @p3 $0x10428  }
0x7a: {  	[tilespmem:s12], [sflag:$0x3] =	stream.indirect.gather @p3 [spmem:s4], $0x1, s10, s2, $0xb8;
	[tilespmem:$0x1F428] =	vst v63  }
0x7b: {  	s20 =	simm.s32 @!p3 $0x2;
	_ =	swait.ge @p3 [sflag:s11], $0x1000  }
0x7c: {  	s16 =	sshll.u32 s20, $0xC;
	[sflag:s11] =	ssyncset.done @p3 $0x0  }
0x7d: {  	s10 =	simm.s32 @!p3 $0x1000;
	[sflag:s11] =	ssyncadd.s32 @p3 $0xFFFFF000;
	s11 =	simm.s32 @!p3 $0x1C428  }
0x7e: {  	[tilespmem:s11], [sflag:$0x2] =	stream.indirect.gather @!p3 [spmem:s4], $0x1, s13, s10, $0xb8;
	[tilespmem:$0x1F428] =	vst v63  }
0x7f: {  	s2 =	sand.u32 $0x3FFFF000, s16;
	s12 =	simm.s32 @!p3 $0x1D428;
	s11 =	simm.s32 @!p3 $0x10428  }
0x80: {  	[tilespmem:s12], [sflag:$0x3] =	stream.indirect.gather @!p3 [spmem:s4], $0x1, s11, s10, $0xb8;
	[tilespmem:$0x1F428] =	vst v63  }
0x81: {  	s2 =	sadd.s32 $0xF428, s2;
	s16 =	rddreg [dreg:$0x6]  }
0x82: {  	[tilespmem:s24], [sflag:$0x4] =	stream.indirect.gather [spmem:s4], $0x1, s2, s16, $0xb8;
	[tilespmem:$0x1F428] =	vst v63  }
0x83: {  	p0 =	por $0x1, $0x1;
	s6 =	simm.s32 @!p3 $0x80000;
	_ =	swait.ge [sflag:s25], $0x1000  }
0x84: {  	s6 =	sor.u32 s14, s6;
	s23 =	sshll.u32 s20, $0x13;
	s18 =	rddreg [dreg:$0x7]  }
0x85: {  	s20 =	simm.s32 $0x5;
	[sflag:s25] =	ssyncset.done $0x0;
	s2 =	sadd.s32 $0x80000, s18  }
0x86: {  	s19 =	rddreg [dreg:$0x8];
	[sflag:s25] =	ssyncadd.s32 $0xFFFFF000;
	s2 =	sadd.s32 $0xFFF80000, s2  }
0x87: {  	[hbm4b:s2+s21] =	stream.strided.scatter [tilespmem:s19], [sflag:$0x5], $0x1000, s26, s21, $0x38;
	[tilespmem:$0x1F428] =	vst v63  }
0x88: {  	s6 =	sadd.s32 s6, s3;
	s11 =	sor.u32 s14, s23;
	_ =	swait.ge [sflag:s28], $0x1000  }
.Ltmp4:
0x89: {  	s10 =	sor.u32 s31, s7;
	[sflag:s28] =	ssyncset.done $0x0;
	(pc) =	sbr.rel @!p0 .LBB2_7-.Ltmp4, $4  }
0x8a: {  	p3 =	por $0x1, $0x1;
	s22 =	rddreg [dreg:$0x9];
	[sflag:s28] =	ssyncadd.s32 $0xFFFFF000  }
0x8b: {  	[hbm4b:s6+s21] =	stream.strided.scatter [tilespmem:s22], [sflag:$0x6], $0x1000, s26, s21, $0x38;
	[tilespmem:$0x1F428] =	vst v63  }
0x8c: {  	s7 =	simm.s32 $0xF428;
	s11 =	sadd.s32 s11, s3;
	_ =	swait.ge [sflag:s29], $0x1000  }
0x8d: {  	s2 =	simm.s32 $0x2;
	s6 =	simm.s32 $0x200000;
	[sflag:s29] =	ssyncset.done $0x0  }
.LBB2_8:
0x8e: {  	p4 =	sne.s32 s10, $0x0;
	s7 =	sadd.s32 $0x3000, s7;
	s16 =	smov.u32 s20  }
0x8f: {  	[sflag:s29] =	ssyncadd.s32 $0xFFFFF000;
	s12 =	simm.s32 @p4 $0x5;
	s16 =	simm.s32 @!p4 $0x2  }
0x90: {  	[hbm4b:s11+s21] =	stream.strided.scatter [tilespmem:s24], [sflag:$0x7], $0x1000, s26, s21, $0x38;
	[tilespmem:$0x1F428] =	vst v63  }
0x91: {  	s11 =	smov.u32 s6;
	s22 =	simm.s32 @p4 $0x6;
	_ =	swait.ge @p4 [sflag:s12], $0x1000  }
0x92: {  	s23 =	simm.s32 @p4 $0x1C428;
	s11 =	simm.s32 @!p4 $0x80000;
	[sflag:s12] =	ssyncset.done @p4 $0x0  }
0x93: {  	s19 =	sshll.u32 s16, $0xC;
	[sflag:s12] =	ssyncadd.s32 @p4 $0xFFFFF000;
	s12 =	simm.s32 @p4 $0x1000  }
0x94: {  	[tilespmem:s23], [sflag:$0x2] =	stream.indirect.gather @p4 [spmem:s4], $0x1, s7, s12, $0xb8;
	[tilespmem:$0x1F428] =	vst v63  }
0x95: {  	s18 =	sshll.u32 s16, $0x13;
	s16 =	simm.s32 @p4 $0x7;
	_ =	swait.ge @p4 [sflag:s22], $0x1000  }
0x96: {  	s23 =	sor.u32 s14, s11;
	s11 =	sor.u32 s14, s18;
	[sflag:s22] =	ssyncset.done @p4 $0x0  }
0x97: {  	s18 =	simm.s32 @p4 $0x1D428;
	[sflag:s22] =	ssyncadd.s32 @p4 $0xFFFFF000;
	s22 =	sadd.s32 @p4 $0x1000, s7  }
0x98: {  	[tilespmem:s18], [sflag:$0x3] =	stream.indirect.gather @p4 [spmem:s4], $0x1, s22, s12, $0xb8;
	[tilespmem:$0x1F428] =	vst v63  }
0x99: {  	_ =	swait.ge @p4 [sflag:s16], $0x1000  }
0x9a: {  	[sflag:s16] =	ssyncset.done @p4 $0x0  }
0x9b: {  	s12 =	simm.s32 @!p4 $0x1000;
	[sflag:s16] =	ssyncadd.s32 @p4 $0xFFFFF000;
	s16 =	simm.s32 @!p4 $0x1C428  }
0x9c: {  	[tilespmem:s16], [sflag:$0x2] =	stream.indirect.gather @!p4 [spmem:s4], $0x1, s7, s12, $0xb8;
	[tilespmem:$0x1F428] =	vst v63  }
0x9d: {  	s19 =	sand.u32 $0x3FFFF000, s19;
	s18 =	simm.s32 @!p4 $0x1D428;
	s16 =	simm.s32 @!p4 $0x10428  }
0x9e: {  	[tilespmem:s18], [sflag:$0x3] =	stream.indirect.gather @!p4 [spmem:s4], $0x1, s16, s12, $0xb8;
	[tilespmem:$0x1F428] =	vst v63  }
0x9f: {  	s22 =	rddreg [dreg:$0x6];
	s16 =	sadd.s32 $0xF428, s19  }
0xa0: {  	[tilespmem:s24], [sflag:$0x4] =	stream.indirect.gather [spmem:s4], $0x1, s16, s22, $0xb8;
	[tilespmem:$0x1F428] =	vst v63  }
0xa1: {  	_ =	swait.ge [sflag:s25], $0x1000  }
0xa2: {  	s10 =	smov.u32 s2;
	s18 =	rddreg [dreg:$0x7]  }
0xa3: {  	s2 =	sadd.s32 $0x1, s2;
	[sflag:s25] =	ssyncset.done $0x0;
	s12 =	sadd.s32 s6, s18  }
0xa4: {  	s19 =	rddreg [dreg:$0x8];
	[sflag:s25] =	ssyncadd.s32 $0xFFFFF000;
	s12 =	sadd.s32 $0xFFF80000, s12  }
0xa5: {  	[hbm4b:s12+s21] =	stream.strided.scatter [tilespmem:s19], [sflag:$0x5], $0x1000, s26, s21, $0x38;
	[tilespmem:$0x1F428] =	vst v63  }
0xa6: {  	p5 =	sne.s32 s2, $0x4;
	_ =	swait.ge [sflag:s28], $0x1000  }
.Ltmp5:
0xa7: {  	[sflag:s28] =	ssyncset.done $0x0;
	(pc) =	sbr.rel @p5 .LBB2_8-.Ltmp5, $4  }
0xa8: {  	s23 =	sadd.s32 s23, s3;
	s22 =	rddreg [dreg:$0x9];
	[sflag:s28] =	ssyncadd.s32 $0xFFFFF000  }
0xa9: {  	[hbm4b:s23+s21] =	stream.strided.scatter [tilespmem:s22], [sflag:$0x6], $0x1000, s26, s21, $0x38;
	[tilespmem:$0x1F428] =	vst v63  }
0xaa: {  	s20 =	sadd.s32 $0x3, s20;
	s10 =	sor.u32 s31, s10;
	_ =	swait.ge [sflag:s29], $0x1000  }
0xab: {  	s11 =	sadd.s32 s11, s3;
	s6 =	sadd.s32 $0x180000, s6;
	[sflag:s29] =	ssyncset.done $0x0  }
.LBB2_9:
0xac: {  	p4 =	sne.s32 s10, $0x0  }
0xad: {  	[sflag:s29] =	ssyncadd.s32 @p3 $0xFFFFF000;
	s2 =	simm.s32 @p4 $0x5  }
0xae: {  	[hbm4b:s11+s21] =	stream.strided.scatter @p3 [tilespmem:s24], [sflag:$0x7], $0x1000, s26, s21, $0x38;
	[tilespmem:$0x1F428] =	vst v63  }
0xaf: {  	s7 =	sadd.s32 @p3 $0x3000, s7;
	_ =	swait.ge @p4 [sflag:s2], $0x1000  }
0xb0: {  	s10 =	simm.s32 @p4 $0x6;
	s11 =	simm.s32 @p4 $0x1C428;
	[sflag:s2] =	ssyncset.done @p4 $0x0  }
0xb1: {  	s13 =	smov.u32 @p3 s7;
	[sflag:s2] =	ssyncadd.s32 @p4 $0xFFFFF000;
	s2 =	simm.s32 @p4 $0x1000  }
0xb2: {  	[tilespmem:s11], [sflag:$0x2] =	stream.indirect.gather @p4 [spmem:s4], $0x1, s13, s2, $0xb8;
	[tilespmem:$0x1F428] =	vst v63  }
0xb3: {  	_ =	swait.ge @p4 [sflag:s10], $0x1000  }
0xb4: {  	s7 =	simm.s32 @p4 $0x7;
	[sflag:s10] =	ssyncset.done @p4 $0x0  }
0xb5: {  	s11 =	simm.s32 @p4 $0x1D428;
	[sflag:s10] =	ssyncadd.s32 @p4 $0xFFFFF000;
	s10 =	sadd.s32 @p4 $0x1000, s13  }
0xb6: {  	[tilespmem:s11], [sflag:$0x3] =	stream.indirect.gather @p4 [spmem:s4], $0x1, s10, s2, $0xb8;
	[tilespmem:$0x1F428] =	vst v63  }
0xb7: {  	s20 =	simm.s32 @!p4 $0x2;
	_ =	swait.ge @p4 [sflag:s7], $0x1000  }
0xb8: {  	s16 =	sshll.u32 s20, $0xC;
	[sflag:s7] =	ssyncset.done @p4 $0x0  }
0xb9: {  	s10 =	simm.s32 @!p4 $0x1C428;
	[sflag:s7] =	ssyncadd.s32 @p4 $0xFFFFF000;
	s7 =	simm.s32 @!p4 $0x1000  }
0xba: {  	[tilespmem:s10], [sflag:$0x2] =	stream.indirect.gather @!p4 [spmem:s4], $0x1, s13, s7, $0xb8;
	[tilespmem:$0x1F428] =	vst v63  }
0xbb: {  	s2 =	sand.u32 $0x3FFFF000, s16;
	s11 =	simm.s32 @!p4 $0x1D428;
	s10 =	simm.s32 @!p4 $0x10428  }
0xbc: {  	[tilespmem:s11], [sflag:$0x3] =	stream.indirect.gather @!p4 [spmem:s4], $0x1, s10, s7, $0xb8;
	[tilespmem:$0x1F428] =	vst v63  }
0xbd: {  	s2 =	sadd.s32 $0xF428, s2;
	s12 =	rddreg [dreg:$0x6]  }
0xbe: {  	[tilespmem:s24], [sflag:$0x4] =	stream.indirect.gather [spmem:s4], $0x1, s2, s12, $0xb8;
	[tilespmem:$0x1F428] =	vst v63  }
0xbf: {  	_ =	swait.ge [sflag:s25], $0x1000  }
0xc0: {  	s18 =	rddreg [dreg:$0x7]  }
0xc1: {  	[sflag:s25] =	ssyncset.done $0x0;
	s2 =	sadd.s32 s6, s18  }
0xc2: {  	s19 =	rddreg [dreg:$0x8];
	[sflag:s25] =	ssyncadd.s32 $0xFFFFF000;
	s2 =	sadd.s32 $0xFFF80000, s2  }
0xc3: {  	[hbm4b:s2+s21] =	stream.strided.scatter [tilespmem:s19], [sflag:$0x5], $0x1000, s26, s21, $0x38;
	[tilespmem:$0x1F428] =	vst v63  }
0xc4: {  	s6 =	simm.s32 @!p4 $0x80000;
	_ =	swait.ge [sflag:s28], $0x1000  }
0xc5: {  	s6 =	sor.u32 s14, s6;
	[sflag:s28] =	ssyncset.done $0x0  }
0xc6: {  	s6 =	sadd.s32 s6, s3;
	s22 =	rddreg [dreg:$0x9];
	[sflag:s28] =	ssyncadd.s32 $0xFFFFF000  }
0xc7: {  	[hbm4b:s6+s21] =	stream.strided.scatter [tilespmem:s22], [sflag:$0x6], $0x1000, s26, s21, $0x38;
	[tilespmem:$0x1F428] =	vst v63  }
0xc8: {  	s23 =	sshll.u32 s20, $0x13;
	_ =	swait.ge [sflag:s29], $0x1000  }
0xc9: {  	s2 =	sor.u32 s14, s23;
	[sflag:s29] =	ssyncset.done $0x0  }
0xca: {  	s2 =	sadd.s32 s2, s3;
	[sflag:s29] =	ssyncadd.s32 $0xFFFFF000  }
0xcb: {  	[hbm4b:s2+s21] =	stream.strided.scatter [tilespmem:s24], [sflag:$0x7], $0x1000, s26, s21, $0x38;
	[tilespmem:$0x1F428] =	vst v63  }
0xcc: {  	s2 =	simm.s32 @!p2 $0x5  }
0xcd: {  	_ =	swait.ge @!p2 [sflag:s2], $0x1000  }
0xce: {  	s3 =	simm.s32 @!p2 $0x1B428;
	[sflag:s2] =	ssyncset.done @!p2 $0x0  }
0xcf: {  	s6 =	simm.s32 @!p2 $0x1C428;
	[sflag:s2] =	ssyncadd.s32 @!p2 $0xFFFFF000;
	s2 =	simm.s32 @!p2 $0x1000  }
0xd0: {  	[tilespmem:s6], [sflag:$0x2] =	stream.indirect.gather @!p2 [spmem:s4], $0x1, s3, s2, $0xb8;
	[tilespmem:$0x1F428] =	vst v63  }
0xd1: {  	s2 =	simm.s32 @!p2 $0x2  }
0xd2: {  	_ =	swait.ge @!p2 [sflag:s2], $0x1000  }
0xd3: {  	s31 =	sadd.s32 $0x1, s31;
	[sflag:s2] =	ssyncset.done @!p2 $0x0  }
0xd4: {  	p0 =	sne.s32 s31, $0x20;
	[sflag:s2] =	ssyncadd.s32 @!p2 $0xFFFFF000;
	s2 =	rddreg [dreg:$0xe]  }
.Ltmp6:
0xd5: {  	s3 =	simm.s32 @!p2 $0x400;
	s0 =	sadd.s32 @!p2 s0, s2;
	(pc) =	sbr.rel @p0 .LBB2_4-.Ltmp6, $4  }
.Ltmp7:
0xd6: {  	s2 =	simm.s32 @!p2 $0x80;
	s0 =	sadd.s32 @!p2 s5, s0;
	(pc) =	sbr.rel @!p0 .LBB2_10-.Ltmp7, $4  }
0xd7: {  	[hbm4b:s0+s2] =	stream.strided.scatter @!p2 [tilespmem:s6], [sflag:$0x5], $0x1000, s3, s2, $0x38;
	[tilespmem:$0x1F428] =	vst v63  }
0xd8: {  	[bflag:$0x0] =	sbarrier.arrive $0xFFFF  }
0xd9: {  	s30 =	sadd.s32 $0x200, s30;
	s17 =	sadd.s32 $0x1, s17  }
0xda: {  	_ = 	snop  }
.LBB2_5:
.Ltmp8:
0xdb: {  	(pc) =	sbr.rel .LBB2_9-.Ltmp8, $2  }
0xdc: {  	_ =	sdelay $0x2  }
0xdd: {  	s7 =	simm.s32 $0xF428  }
.LBB2_7:
.Ltmp9:
0xde: {  	(pc) =	sbr.rel .LBB2_9-.Ltmp9, $2  }
0xdf: {  	_ =	sdelay $0x2  }
0xe0: {  	s7 =	simm.s32 $0xF428  }
.LBB2_11:
0xe1: {  	_ =	sfence.sel $0x180000  }
0xe2: {  	[bflag:$0x0] =	sbarrier.arrive $0xFFFF  }
0xe3: {  	_ =	strace $0x90000047  }
0xe4: {  	s0 =	stileid.u32;
	[bflag:$0x2] =	sbarrier.arrive $0xFFFF  }
0xe5: {  	p0 =	sne.s32 s0, $0x0;
	s0 =	rddreg [dreg:$0x5]  }
0xe6: {  	s0 =	sadd.s32 @!p0 $0x100000, s0  }
0xe7: {  	[sflag:s0] =	ssyncadd.tile.s32 @!p0 $0x1;
	_ =	shalt  }
.Lfunc_end2:
_tile_overlayer_lowered:
.L_overlay_start_2:
0xe8: {  	(tag) =	ssettag $0x2  }
0xe9: {  	s0 =	rddreg [dreg:$0x0];
	s2 =	stileid.u32  }
0xea: {  	s1 =	rddreg [dreg:$0x1];
	p0 =	sne.s32 s2, $0x0  }
0xeb: {  	s3 =	rddreg [dreg:$0x2];
	[bflag:$0x3] =	sbarrier.arrive $0xFFFF;
	s2 =	simm.s32 @!p0 $0x1C08  }
0xec: {  	[timem:s3], [sflag:s2] =	dma.local @!p0 [hbm:s0], s1  }
0xed: {  	s0 =	simm.s32 @!p0 $0x8  }
0xee: {  	_ =	swait.ge @!p0 [sflag:s0], s1  }
0xef: {  	s1 =	ssub.s32 @!p0 $0x0, s1;
	[sflag:s0] =	ssyncset.done @!p0 $0x0  }
0xf0: {  	[sflag:s0] =	ssyncadd.s32 @!p0 s1  }
0xf1: {  	[bflag:$0x3] =	sbarrier.arrive $0xFFFF  }
0xf2: {  	_ =	shalt  }

</sc_bundles>
